<compile_context>
chip_gen: v7x
topology: tpu7x:2x2x1
jax: 0.10.2.dev20260603
libtpu: 0.0.44.dev20260713+nightly
codegen_flags: <defaults>
</compile_context>

<pallas_src>
import functools

import jax
import jax.numpy as jnp
from jax import lax
from jax.experimental import pallas as pl
from jax.experimental.pallas import tpu as pltpu
from jax.experimental.pallas import tpu_sc as plsc

B = 16384
EMB = 128
NUM_LOC = 58
NUM_AGE = 2

NC, NS, L = 2, 16, 16
NW = NC * NS
CPW = B // NW
G = 128
NCHUNK = CPW // G


@functools.lru_cache(maxsize=None)
def _build_sc_gather():
    @functools.partial(
        pl.kernel,
        mesh=plsc.VectorSubcoreMesh(core_axis_name="c", subcore_axis_name="s"),
        compiler_params=pltpu.CompilerParams(
            needs_layout_passes=False,
            skip_device_barrier=True,
            disable_bounds_checks=True,
            disable_semaphore_checks=True,
        ),
        out_type=jax.ShapeDtypeStruct((B, 2 * EMB), jnp.float32),
        scratch_types=[
            pltpu.VMEM((CPW,), jnp.int32),
            pltpu.VMEM((CPW,), jnp.int32),
            pltpu.VMEM((G, EMB), jnp.float32),
            pltpu.VMEM((G, EMB), jnp.float32),
            pltpu.VMEM((G, EMB), jnp.float32),
            pltpu.VMEM((G, EMB), jnp.float32),
            pltpu.VMEM((G, EMB), jnp.float32),
            pltpu.VMEM((G, EMB), jnp.float32),
            pltpu.VMEM_SHARED((NUM_LOC + NUM_AGE, EMB), jnp.float32),
            pltpu.SemaphoreType.DMA,
            pltpu.SemaphoreType.DMA,
            pltpu.SemaphoreType.DMA,
            pltpu.SemaphoreType.DMA,
            pltpu.SemaphoreType.DMA,
            pltpu.SemaphoreType.DMA,
        ],
    )
    def _sc_gather(loc_idx_hbm, age_idx_hbm, loc_tab_hbm, age_tab_hbm,
                   out_hbm, loc_v, age_v, lbuf0, lbuf1, lbuf2,
                   abuf0, abuf1, abuf2, table_sh,
                   gsem0, gsem1, gsem2, wsem0, wsem1, wsem2):
        lbufs = (lbuf0, lbuf1, lbuf2)
        abufs = (abuf0, abuf1, abuf2)
        gsems = (gsem0, gsem1, gsem2)
        wsems = (wsem0, wsem1, wsem2)
        sid = lax.axis_index("s")
        wid = sid * NC + lax.axis_index("c")
        base = wid * CPW

        @pl.when(sid == 0)
        def _():
            tp_l = pltpu.async_copy(
                loc_tab_hbm, table_sh.at[pl.ds(0, NUM_LOC)], wsem0)
            tp_a = pltpu.async_copy(
                age_tab_hbm, table_sh.at[pl.ds(NUM_LOC, NUM_AGE)], wsem1)
            tp_l.wait()
            tp_a.wait()

        cp_l = pltpu.async_copy(loc_idx_hbm.at[pl.ds(base, CPW)], loc_v, gsem0)
        cp_a = pltpu.async_copy(age_idx_hbm.at[pl.ds(base, CPW)], age_v, gsem1)
        cp_l.wait()
        cp_a.wait()

        plsc.subcore_barrier()

        age_tab_sh = table_sh.at[pl.ds(NUM_LOC, NUM_AGE)]

        def start_gathers(k, b):
            return [
                pltpu.async_copy(
                    table_sh.at[loc_v.at[pl.ds(k * G, G)]], lbufs[b], gsems[b]),
                pltpu.async_copy(
                    age_tab_sh.at[age_v.at[pl.ds(k * G, G)]], abufs[b],
                    gsems[b]),
            ]

        gd = [None] * NCHUNK
        wd = [None] * NCHUNK
        gd[0] = start_gathers(0, 0)
        for k in range(NCHUNK):
            b = k % 3
            if k + 1 < NCHUNK:
                if k >= 2:
                    for d in wd[k - 2]:
                        d.wait()
                gd[k + 1] = start_gathers(k + 1, (k + 1) % 3)
            for d in gd[k]:
                d.wait()
            row0 = base + k * G
            wd[k] = [
                pltpu.async_copy(
                    lbufs[b], out_hbm.at[pl.ds(row0, G), pl.ds(0, EMB)],
                    wsems[b]),
                pltpu.async_copy(
                    abufs[b], out_hbm.at[pl.ds(row0, G), pl.ds(EMB, EMB)],
                    wsems[b]),
            ]
        for k in (NCHUNK - 2, NCHUNK - 1):
            for d in wd[k]:
                d.wait()

    return _sc_gather


def kernel(location_idx, age_idx, location_table, age_table):
    return _build_sc_gather()(location_idx.astype(jnp.int32),
                              age_idx.astype(jnp.int32),
                              location_table, age_table)

# --- scband reference (transcript-rebuilt; emitter-appended) ---
"""Pipeline reference for scband-user-20444044329293 (READ-ONLY COPY).

The authoritative reference and input builder live on the scoring server;
editing this copy changes nothing except your own understanding.
"""

import jax, jax.numpy as jnp
import numpy as np

B = 16384
EMB = 128
NUM_LOC = 58
NUM_AGE = 2

def setup_inputs(seed: int = 0) -> dict:
    key = jax.random.key(seed)
    k1, k2, k3, k4 = jax.random.split(key, 4)
    location_idx = jax.random.randint(k1, (B,), 0, NUM_LOC, dtype=jnp.int64 if jax.config.jax_enable_x64 else jnp.int32)
    age_idx = jax.random.randint(k2, (B,), 0, NUM_AGE, dtype=jnp.int64 if jax.config.jax_enable_x64 else jnp.int32)
    location_table = jax.random.normal(k3, (NUM_LOC, EMB), dtype=jnp.float32)
    age_table = jax.random.normal(k4, (NUM_AGE, EMB), dtype=jnp.float32)
    return {
        "location_idx": location_idx,
        "age_idx": age_idx,
        "location_table": location_table,
        "age_table": age_table,
    }

def reference(location_idx, age_idx, location_table, age_table):
    location_emb = jnp.take(location_table, location_idx, axis=0)
    age_emb = jnp.take(age_table, age_idx, axis=0)
    return jnp.concatenate((location_emb, age_emb), axis=1)

if __name__ == "__main__":
    import jax
    _d = setup_inputs()
    print(jax.jit(kernel)(*tuple(_d.values())))

</pallas_src>

<mosaic_0001>
#map = affine_map<(d0, d1) -> (0)>
#map1 = affine_map<(d0, d1) -> (0, 0)>
module attributes {stable_mosaic.version = 14 : i64} {
  func.func @_sc_gather(%arg0: i32, %arg1: i32, %arg2: memref<16384xi32, #tpu.memory_space<hbm>>, %arg3: memref<16384xi32, #tpu.memory_space<hbm>>, %arg4: memref<58x128xf32, #tpu.memory_space<hbm>>, %arg5: memref<2x128xf32, #tpu.memory_space<hbm>>, %arg6: memref<16384x256xf32, #tpu.memory_space<hbm>>, %arg7: memref<512xi32, #tpu.memory_space<vmem>>, %arg8: memref<512xi32, #tpu.memory_space<vmem>>, %arg9: memref<128x128xf32, #tpu.memory_space<vmem>>, %arg10: memref<128x128xf32, #tpu.memory_space<vmem>>, %arg11: memref<128x128xf32, #tpu.memory_space<vmem>>, %arg12: memref<128x128xf32, #tpu.memory_space<vmem>>, %arg13: memref<128x128xf32, #tpu.memory_space<vmem>>, %arg14: memref<128x128xf32, #tpu.memory_space<vmem>>, %arg15: memref<60x128xf32, #tpu.memory_space<vmem_shared>>, %arg16: memref<!tpu.dma_semaphore, #tpu.memory_space<semaphore_mem>>, %arg17: memref<!tpu.dma_semaphore, #tpu.memory_space<semaphore_mem>>, %arg18: memref<!tpu.dma_semaphore, #tpu.memory_space<semaphore_mem>>, %arg19: memref<!tpu.dma_semaphore, #tpu.memory_space<semaphore_mem>>, %arg20: memref<!tpu.dma_semaphore, #tpu.memory_space<semaphore_mem>>, %arg21: memref<!tpu.dma_semaphore, #tpu.memory_space<semaphore_mem>>) attributes {dimension_semantics = [#tpu.dimension_semantics<core_parallel>, #tpu.dimension_semantics<subcore_parallel>], iteration_bounds = array<i64: 2, 16>, scalar_prefetch = 0 : i64, scratch_operands = 15 : i64, tpu.core_type = #tpu.core_type<sc_vector_subcore>, window_params = [{transform_indices = #map}, {transform_indices = #map}, {transform_indices = #map1}, {transform_indices = #map1}, {transform_indices = #map1}]} {
    %mul3A = arith.constant 2 : i32
    %mul3A_0 = arith.muli %arg1, %mul3A : i32
    %add3A = arith.addi %mul3A_0, %arg0 : i32
    %mul3A_1 = arith.constant 512 : i32
    %mul3A_2 = arith.muli %add3A, %mul3A_1 : i32
    %eq3A = arith.constant 0 : i32
    %eq3A_3 = arith.cmpi eq, %arg1, %eq3A : i32
    %convert_element_type3A = arith.extui %eq3A_3 : i1 to i32
    %cond3A = arith.constant 0 : i32
    %cond3A_4 = arith.cmpi ne, %convert_element_type3A, %cond3A : i32
    scf.if %cond3A_4 {
      %dma_start3A_179 = arith.constant 0 : i32
      %dma_start3A_180 = arith.constant 0 : i32
      %dma_start3A_181 = tpu.memref_slice %arg15[%dma_start3A_179, %dma_start3A_180] : memref<60x128xf32, #tpu.memory_space<vmem_shared>> -> memref<58x128xf32, #tpu.memory_space<vmem_shared>>
      tpu.enqueue_dma source(%arg4 : memref<58x128xf32, #tpu.memory_space<hbm>>) target(%dma_start3A_181 : memref<58x128xf32, #tpu.memory_space<vmem_shared>>) target_semaphore(%arg19 : memref<!tpu.dma_semaphore, #tpu.memory_space<semaphore_mem>>)
      %dma_start3A_182 = arith.constant 58 : i32
      %dma_start3A_183 = arith.constant 0 : i32
      %dma_start3A_184 = tpu.memref_slice %arg15[%dma_start3A_182, %dma_start3A_183] : memref<60x128xf32, #tpu.memory_space<vmem_shared>> -> memref<2x128xf32, #tpu.memory_space<vmem_shared>>
      tpu.enqueue_dma source(%arg5 : memref<2x128xf32, #tpu.memory_space<hbm>>) target(%dma_start3A_184 : memref<2x128xf32, #tpu.memory_space<vmem_shared>>) target_semaphore(%arg20 : memref<!tpu.dma_semaphore, #tpu.memory_space<semaphore_mem>>)
      %dma_wait3A_185 = arith.constant 0 : i32
      %dma_wait3A_186 = arith.constant 0 : i32
      %dma_wait3A_187 = tpu.memref_slice %arg15[%dma_wait3A_185, %dma_wait3A_186] : memref<60x128xf32, #tpu.memory_space<vmem_shared>> -> memref<58x128xf32, #tpu.memory_space<vmem_shared>>
      tpu.wait_dma2 semaphore(%arg19 : memref<!tpu.dma_semaphore, #tpu.memory_space<semaphore_mem>>) src(%arg4 : memref<58x128xf32, #tpu.memory_space<hbm>>) dst(%dma_wait3A_187 : memref<58x128xf32, #tpu.memory_space<vmem_shared>>)
      %dma_wait3A_188 = arith.constant 58 : i32
      %dma_wait3A_189 = arith.constant 0 : i32
      %dma_wait3A_190 = tpu.memref_slice %arg15[%dma_wait3A_188, %dma_wait3A_189] : memref<60x128xf32, #tpu.memory_space<vmem_shared>> -> memref<2x128xf32, #tpu.memory_space<vmem_shared>>
      tpu.wait_dma2 semaphore(%arg20 : memref<!tpu.dma_semaphore, #tpu.memory_space<semaphore_mem>>) src(%arg5 : memref<2x128xf32, #tpu.memory_space<hbm>>) dst(%dma_wait3A_190 : memref<2x128xf32, #tpu.memory_space<vmem_shared>>)
    } else {
    }
    %dma_start3A = tpu.memref_slice %arg2[%mul3A_2] : memref<16384xi32, #tpu.memory_space<hbm>> -> memref<512xi32, #tpu.memory_space<hbm>>
    %dma_start3A_5 = tpu.memref_slice %arg2[%mul3A_2] : memref<16384xi32, #tpu.memory_space<hbm>> -> memref<512xi32, #tpu.memory_space<hbm>>
    tpu.enqueue_dma source(%dma_start3A_5 : memref<512xi32, #tpu.memory_space<hbm>>) target(%arg7 : memref<512xi32, #tpu.memory_space<vmem>>) target_semaphore(%arg16 : memref<!tpu.dma_semaphore, #tpu.memory_space<semaphore_mem>>)
    %dma_start3A_6 = tpu.memref_slice %arg3[%mul3A_2] : memref<16384xi32, #tpu.memory_space<hbm>> -> memref<512xi32, #tpu.memory_space<hbm>>
    %dma_start3A_7 = tpu.memref_slice %arg3[%mul3A_2] : memref<16384xi32, #tpu.memory_space<hbm>> -> memref<512xi32, #tpu.memory_space<hbm>>
    tpu.enqueue_dma source(%dma_start3A_7 : memref<512xi32, #tpu.memory_space<hbm>>) target(%arg8 : memref<512xi32, #tpu.memory_space<vmem>>) target_semaphore(%arg17 : memref<!tpu.dma_semaphore, #tpu.memory_space<semaphore_mem>>)
    %dma_wait3A = tpu.memref_slice %arg2[%mul3A_2] : memref<16384xi32, #tpu.memory_space<hbm>> -> memref<512xi32, #tpu.memory_space<hbm>>
    %dma_wait3A_8 = tpu.memref_slice %arg2[%mul3A_2] : memref<16384xi32, #tpu.memory_space<hbm>> -> memref<512xi32, #tpu.memory_space<hbm>>
    tpu.wait_dma2 semaphore(%arg16 : memref<!tpu.dma_semaphore, #tpu.memory_space<semaphore_mem>>) src(%dma_wait3A_8 : memref<512xi32, #tpu.memory_space<hbm>>) dst(%arg7 : memref<512xi32, #tpu.memory_space<vmem>>)
    %dma_wait3A_9 = tpu.memref_slice %arg3[%mul3A_2] : memref<16384xi32, #tpu.memory_space<hbm>> -> memref<512xi32, #tpu.memory_space<hbm>>
    %dma_wait3A_10 = tpu.memref_slice %arg3[%mul3A_2] : memref<16384xi32, #tpu.memory_space<hbm>> -> memref<512xi32, #tpu.memory_space<hbm>>
    tpu.wait_dma2 semaphore(%arg17 : memref<!tpu.dma_semaphore, #tpu.memory_space<semaphore_mem>>) src(%dma_wait3A_10 : memref<512xi32, #tpu.memory_space<hbm>>) dst(%arg8 : memref<512xi32, #tpu.memory_space<vmem>>)
    %barrier3A = arith.constant 0 : index
    tpu.barrier barrier_id(%barrier3A)
    %dma_start3A_11 = arith.constant 0 : i32
    %dma_start3A_12 = tpu.memref_slice %arg7[%dma_start3A_11] : memref<512xi32, #tpu.memory_space<vmem>> -> memref<128xi32, #tpu.memory_space<vmem>>
    %dma_start3A_13 = arith.constant 0 : i32
    %dma_start3A_14 = arith.constant 0 : i32
    %dma_start3A_15 = tpu.memref_slice %arg15[%dma_start3A_13, %dma_start3A_14] : memref<60x128xf32, #tpu.memory_space<vmem_shared>> -> memref<60x128xf32, #tpu.memory_space<vmem_shared>>
    tpu.enqueue_indirect_dma source(%dma_start3A_15 : memref<60x128xf32, #tpu.memory_space<vmem_shared>>) target(%arg9 : memref<128x128xf32, #tpu.memory_space<vmem>>) offsets(%dma_start3A_12 : memref<128xi32, #tpu.memory_space<vmem>>) semaphore(%arg16 : memref<!tpu.dma_semaphore, #tpu.memory_space<semaphore_mem>>)
    %dma_start3A_16 = arith.constant 0 : i32
    %dma_start3A_17 = tpu.memref_slice %arg8[%dma_start3A_16] : memref<512xi32, #tpu.memory_space<vmem>> -> memref<128xi32, #tpu.memory_space<vmem>>
    %dma_start3A_18 = arith.constant 58 : i32
    %dma_start3A_19 = arith.constant 0 : i32
    %dma_start3A_20 = tpu.memref_slice %arg15[%dma_start3A_18, %dma_start3A_19] : memref<60x128xf32, #tpu.memory_space<vmem_shared>> -> memref<2x128xf32, #tpu.memory_space<vmem_shared>>
    %dma_start3A_21 = arith.constant 0 : i32
    %dma_start3A_22 = arith.constant 0 : i32
    %dma_start3A_23 = tpu.memref_slice %dma_start3A_20[%dma_start3A_21, %dma_start3A_22] : memref<2x128xf32, #tpu.memory_space<vmem_shared>> -> memref<2x128xf32, #tpu.memory_space<vmem_shared>>
    tpu.enqueue_indirect_dma source(%dma_start3A_23 : memref<2x128xf32, #tpu.memory_space<vmem_shared>>) target(%arg12 : memref<128x128xf32, #tpu.memory_space<vmem>>) offsets(%dma_start3A_17 : memref<128xi32, #tpu.memory_space<vmem>>) semaphore(%arg16 : memref<!tpu.dma_semaphore, #tpu.memory_space<semaphore_mem>>)
    %dma_start3A_24 = arith.constant 128 : i32
    %dma_start3A_25 = tpu.memref_slice %arg7[%dma_start3A_24] : memref<512xi32, #tpu.memory_space<vmem>> -> memref<128xi32, #tpu.memory_space<vmem>>
    %dma_start3A_26 = arith.constant 0 : i32
    %dma_start3A_27 = arith.constant 0 : i32
    %dma_start3A_28 = tpu.memref_slice %arg15[%dma_start3A_26, %dma_start3A_27] : memref<60x128xf32, #tpu.memory_space<vmem_shared>> -> memref<60x128xf32, #tpu.memory_space<vmem_shared>>
    tpu.enqueue_indirect_dma source(%dma_start3A_28 : memref<60x128xf32, #tpu.memory_space<vmem_shared>>) target(%arg10 : memref<128x128xf32, #tpu.memory_space<vmem>>) offsets(%dma_start3A_25 : memref<128xi32, #tpu.memory_space<vmem>>) semaphore(%arg17 : memref<!tpu.dma_semaphore, #tpu.memory_space<semaphore_mem>>)
    %dma_start3A_29 = arith.constant 128 : i32
    %dma_start3A_30 = tpu.memref_slice %arg8[%dma_start3A_29] : memref<512xi32, #tpu.memory_space<vmem>> -> memref<128xi32, #tpu.memory_space<vmem>>
    %dma_start3A_31 = arith.constant 58 : i32
    %dma_start3A_32 = arith.constant 0 : i32
    %dma_start3A_33 = tpu.memref_slice %arg15[%dma_start3A_31, %dma_start3A_32] : memref<60x128xf32, #tpu.memory_space<vmem_shared>> -> memref<2x128xf32, #tpu.memory_space<vmem_shared>>
    %dma_start3A_34 = arith.constant 0 : i32
    %dma_start3A_35 = arith.constant 0 : i32
    %dma_start3A_36 = tpu.memref_slice %dma_start3A_33[%dma_start3A_34, %dma_start3A_35] : memref<2x128xf32, #tpu.memory_space<vmem_shared>> -> memref<2x128xf32, #tpu.memory_space<vmem_shared>>
    tpu.enqueue_indirect_dma source(%dma_start3A_36 : memref<2x128xf32, #tpu.memory_space<vmem_shared>>) target(%arg13 : memref<128x128xf32, #tpu.memory_space<vmem>>) offsets(%dma_start3A_30 : memref<128xi32, #tpu.memory_space<vmem>>) semaphore(%arg17 : memref<!tpu.dma_semaphore, #tpu.memory_space<semaphore_mem>>)
    %dma_wait3A_37 = arith.constant 0 : i32
    %dma_wait3A_38 = tpu.memref_slice %arg7[%dma_wait3A_37] : memref<512xi32, #tpu.memory_space<vmem>> -> memref<128xi32, #tpu.memory_space<vmem>>
    %dma_wait3A_39 = arith.constant 0 : i32
    %dma_wait3A_40 = arith.constant 0 : i32
    %dma_wait3A_41 = tpu.memref_slice %arg15[%dma_wait3A_39, %dma_wait3A_40] : memref<60x128xf32, #tpu.memory_space<vmem_shared>> -> memref<60x128xf32, #tpu.memory_space<vmem_shared>>
    tpu.wait_indirect_dma semaphore(%arg16 : memref<!tpu.dma_semaphore, #tpu.memory_space<semaphore_mem>>) src(%dma_wait3A_41 : memref<60x128xf32, #tpu.memory_space<vmem_shared>>) dst(%arg9 : memref<128x128xf32, #tpu.memory_space<vmem>>)
    %dma_wait3A_42 = arith.constant 0 : i32
    %dma_wait3A_43 = tpu.memref_slice %arg8[%dma_wait3A_42] : memref<512xi32, #tpu.memory_space<vmem>> -> memref<128xi32, #tpu.memory_space<vmem>>
    %dma_wait3A_44 = arith.constant 58 : i32
    %dma_wait3A_45 = arith.constant 0 : i32
    %dma_wait3A_46 = tpu.memref_slice %arg15[%dma_wait3A_44, %dma_wait3A_45] : memref<60x128xf32, #tpu.memory_space<vmem_shared>> -> memref<2x128xf32, #tpu.memory_space<vmem_shared>>
    %dma_wait3A_47 = arith.constant 0 : i32
    %dma_wait3A_48 = arith.constant 0 : i32
    %dma_wait3A_49 = tpu.memref_slice %dma_wait3A_46[%dma_wait3A_47, %dma_wait3A_48] : memref<2x128xf32, #tpu.memory_space<vmem_shared>> -> memref<2x128xf32, #tpu.memory_space<vmem_shared>>
    tpu.wait_indirect_dma semaphore(%arg16 : memref<!tpu.dma_semaphore, #tpu.memory_space<semaphore_mem>>) src(%dma_wait3A_49 : memref<2x128xf32, #tpu.memory_space<vmem_shared>>) dst(%arg12 : memref<128x128xf32, #tpu.memory_space<vmem>>)
    %add3A_50 = arith.constant 0 : i32
    %add3A_51 = arith.addi %mul3A_2, %add3A_50 : i32
    %dma_start3A_52 = arith.constant 0 : i32
    %dma_start3A_53 = tpu.memref_slice %arg6[%add3A_51, %dma_start3A_52] : memref<16384x256xf32, #tpu.memory_space<hbm>> -> memref<128x128xf32, #tpu.memory_space<hbm>>
    %dma_start3A_54 = arith.constant 0 : i32
    %dma_start3A_55 = tpu.memref_slice %arg6[%add3A_51, %dma_start3A_54] : memref<16384x256xf32, #tpu.memory_space<hbm>> -> memref<128x128xf32, #tpu.memory_space<hbm>>
    tpu.enqueue_dma source(%arg9 : memref<128x128xf32, #tpu.memory_space<vmem>>) target(%dma_start3A_55 : memref<128x128xf32, #tpu.memory_space<hbm>>) target_semaphore(%arg19 : memref<!tpu.dma_semaphore, #tpu.memory_space<semaphore_mem>>)
    %dma_start3A_56 = arith.constant 128 : i32
    %dma_start3A_57 = tpu.memref_slice %arg6[%add3A_51, %dma_start3A_56] : memref<16384x256xf32, #tpu.memory_space<hbm>> -> memref<128x128xf32, #tpu.memory_space<hbm>>
    %dma_start3A_58 = arith.constant 128 : i32
    %dma_start3A_59 = tpu.memref_slice %arg6[%add3A_51, %dma_start3A_58] : memref<16384x256xf32, #tpu.memory_space<hbm>> -> memref<128x128xf32, #tpu.memory_space<hbm>>
    tpu.enqueue_dma source(%arg12 : memref<128x128xf32, #tpu.memory_space<vmem>>) target(%dma_start3A_59 : memref<128x128xf32, #tpu.memory_space<hbm>>) target_semaphore(%arg19 : memref<!tpu.dma_semaphore, #tpu.memory_space<semaphore_mem>>)
    %dma_start3A_60 = arith.constant 256 : i32
    %dma_start3A_61 = tpu.memref_slice %arg7[%dma_start3A_60] : memref<512xi32, #tpu.memory_space<vmem>> -> memref<128xi32, #tpu.memory_space<vmem>>
    %dma_start3A_62 = arith.constant 0 : i32
    %dma_start3A_63 = arith.constant 0 : i32
    %dma_start3A_64 = tpu.memref_slice %arg15[%dma_start3A_62, %dma_start3A_63] : memref<60x128xf32, #tpu.memory_space<vmem_shared>> -> memref<60x128xf32, #tpu.memory_space<vmem_shared>>
    tpu.enqueue_indirect_dma source(%dma_start3A_64 : memref<60x128xf32, #tpu.memory_space<vmem_shared>>) target(%arg11 : memref<128x128xf32, #tpu.memory_space<vmem>>) offsets(%dma_start3A_61 : memref<128xi32, #tpu.memory_space<vmem>>) semaphore(%arg18 : memref<!tpu.dma_semaphore, #tpu.memory_space<semaphore_mem>>)
    %dma_start3A_65 = arith.constant 256 : i32
    %dma_start3A_66 = tpu.memref_slice %arg8[%dma_start3A_65] : memref<512xi32, #tpu.memory_space<vmem>> -> memref<128xi32, #tpu.memory_space<vmem>>
    %dma_start3A_67 = arith.constant 58 : i32
    %dma_start3A_68 = arith.constant 0 : i32
    %dma_start3A_69 = tpu.memref_slice %arg15[%dma_start3A_67, %dma_start3A_68] : memref<60x128xf32, #tpu.memory_space<vmem_shared>> -> memref<2x128xf32, #tpu.memory_space<vmem_shared>>
    %dma_start3A_70 = arith.constant 0 : i32
    %dma_start3A_71 = arith.constant 0 : i32
    %dma_start3A_72 = tpu.memref_slice %dma_start3A_69[%dma_start3A_70, %dma_start3A_71] : memref<2x128xf32, #tpu.memory_space<vmem_shared>> -> memref<2x128xf32, #tpu.memory_space<vmem_shared>>
    tpu.enqueue_indirect_dma source(%dma_start3A_72 : memref<2x128xf32, #tpu.memory_space<vmem_shared>>) target(%arg14 : memref<128x128xf32, #tpu.memory_space<vmem>>) offsets(%dma_start3A_66 : memref<128xi32, #tpu.memory_space<vmem>>) semaphore(%arg18 : memref<!tpu.dma_semaphore, #tpu.memory_space<semaphore_mem>>)
    %dma_wait3A_73 = arith.constant 128 : i32
    %dma_wait3A_74 = tpu.memref_slice %arg7[%dma_wait3A_73] : memref<512xi32, #tpu.memory_space<vmem>> -> memref<128xi32, #tpu.memory_space<vmem>>
    %dma_wait3A_75 = arith.constant 0 : i32
    %dma_wait3A_76 = arith.constant 0 : i32
    %dma_wait3A_77 = tpu.memref_slice %arg15[%dma_wait3A_75, %dma_wait3A_76] : memref<60x128xf32, #tpu.memory_space<vmem_shared>> -> memref<60x128xf32, #tpu.memory_space<vmem_shared>>
    tpu.wait_indirect_dma semaphore(%arg17 : memref<!tpu.dma_semaphore, #tpu.memory_space<semaphore_mem>>) src(%dma_wait3A_77 : memref<60x128xf32, #tpu.memory_space<vmem_shared>>) dst(%arg10 : memref<128x128xf32, #tpu.memory_space<vmem>>)
    %dma_wait3A_78 = arith.constant 128 : i32
    %dma_wait3A_79 = tpu.memref_slice %arg8[%dma_wait3A_78] : memref<512xi32, #tpu.memory_space<vmem>> -> memref<128xi32, #tpu.memory_space<vmem>>
    %dma_wait3A_80 = arith.constant 58 : i32
    %dma_wait3A_81 = arith.constant 0 : i32
    %dma_wait3A_82 = tpu.memref_slice %arg15[%dma_wait3A_80, %dma_wait3A_81] : memref<60x128xf32, #tpu.memory_space<vmem_shared>> -> memref<2x128xf32, #tpu.memory_space<vmem_shared>>
    %dma_wait3A_83 = arith.constant 0 : i32
    %dma_wait3A_84 = arith.constant 0 : i32
    %dma_wait3A_85 = tpu.memref_slice %dma_wait3A_82[%dma_wait3A_83, %dma_wait3A_84] : memref<2x128xf32, #tpu.memory_space<vmem_shared>> -> memref<2x128xf32, #tpu.memory_space<vmem_shared>>
    tpu.wait_indirect_dma semaphore(%arg17 : memref<!tpu.dma_semaphore, #tpu.memory_space<semaphore_mem>>) src(%dma_wait3A_85 : memref<2x128xf32, #tpu.memory_space<vmem_shared>>) dst(%arg13 : memref<128x128xf32, #tpu.memory_space<vmem>>)
    %add3A_86 = arith.constant 128 : i32
    %add3A_87 = arith.addi %mul3A_2, %add3A_86 : i32
    %dma_start3A_88 = arith.constant 0 : i32
    %dma_start3A_89 = tpu.memref_slice %arg6[%add3A_87, %dma_start3A_88] : memref<16384x256xf32, #tpu.memory_space<hbm>> -> memref<128x128xf32, #tpu.memory_space<hbm>>
    %dma_start3A_90 = arith.constant 0 : i32
    %dma_start3A_91 = tpu.memref_slice %arg6[%add3A_87, %dma_start3A_90] : memref<16384x256xf32, #tpu.memory_space<hbm>> -> memref<128x128xf32, #tpu.memory_space<hbm>>
    tpu.enqueue_dma source(%arg10 : memref<128x128xf32, #tpu.memory_space<vmem>>) target(%dma_start3A_91 : memref<128x128xf32, #tpu.memory_space<hbm>>) target_semaphore(%arg20 : memref<!tpu.dma_semaphore, #tpu.memory_space<semaphore_mem>>)
    %dma_start3A_92 = arith.constant 128 : i32
    %dma_start3A_93 = tpu.memref_slice %arg6[%add3A_87, %dma_start3A_92] : memref<16384x256xf32, #tpu.memory_space<hbm>> -> memref<128x128xf32, #tpu.memory_space<hbm>>
    %dma_start3A_94 = arith.constant 128 : i32
    %dma_start3A_95 = tpu.memref_slice %arg6[%add3A_87, %dma_start3A_94] : memref<16384x256xf32, #tpu.memory_space<hbm>> -> memref<128x128xf32, #tpu.memory_space<hbm>>
    tpu.enqueue_dma source(%arg13 : memref<128x128xf32, #tpu.memory_space<vmem>>) target(%dma_start3A_95 : memref<128x128xf32, #tpu.memory_space<hbm>>) target_semaphore(%arg20 : memref<!tpu.dma_semaphore, #tpu.memory_space<semaphore_mem>>)
    %dma_wait3A_96 = arith.constant 0 : i32
    %dma_wait3A_97 = tpu.memref_slice %arg6[%add3A_51, %dma_wait3A_96] : memref<16384x256xf32, #tpu.memory_space<hbm>> -> memref<128x128xf32, #tpu.memory_space<hbm>>
    %dma_wait3A_98 = arith.constant 0 : i32
    %dma_wait3A_99 = tpu.memref_slice %arg6[%add3A_51, %dma_wait3A_98] : memref<16384x256xf32, #tpu.memory_space<hbm>> -> memref<128x128xf32, #tpu.memory_space<hbm>>
    tpu.wait_dma2 semaphore(%arg19 : memref<!tpu.dma_semaphore, #tpu.memory_space<semaphore_mem>>) src(%arg9 : memref<128x128xf32, #tpu.memory_space<vmem>>) dst(%dma_wait3A_99 : memref<128x128xf32, #tpu.memory_space<hbm>>)
    %dma_wait3A_100 = arith.constant 128 : i32
    %dma_wait3A_101 = tpu.memref_slice %arg6[%add3A_51, %dma_wait3A_100] : memref<16384x256xf32, #tpu.memory_space<hbm>> -> memref<128x128xf32, #tpu.memory_space<hbm>>
    %dma_wait3A_102 = arith.constant 128 : i32
    %dma_wait3A_103 = tpu.memref_slice %arg6[%add3A_51, %dma_wait3A_102] : memref<16384x256xf32, #tpu.memory_space<hbm>> -> memref<128x128xf32, #tpu.memory_space<hbm>>
    tpu.wait_dma2 semaphore(%arg19 : memref<!tpu.dma_semaphore, #tpu.memory_space<semaphore_mem>>) src(%arg12 : memref<128x128xf32, #tpu.memory_space<vmem>>) dst(%dma_wait3A_103 : memref<128x128xf32, #tpu.memory_space<hbm>>)
    %dma_start3A_104 = arith.constant 384 : i32
    %dma_start3A_105 = tpu.memref_slice %arg7[%dma_start3A_104] : memref<512xi32, #tpu.memory_space<vmem>> -> memref<128xi32, #tpu.memory_space<vmem>>
    %dma_start3A_106 = arith.constant 0 : i32
    %dma_start3A_107 = arith.constant 0 : i32
    %dma_start3A_108 = tpu.memref_slice %arg15[%dma_start3A_106, %dma_start3A_107] : memref<60x128xf32, #tpu.memory_space<vmem_shared>> -> memref<60x128xf32, #tpu.memory_space<vmem_shared>>
    tpu.enqueue_indirect_dma source(%dma_start3A_108 : memref<60x128xf32, #tpu.memory_space<vmem_shared>>) target(%arg9 : memref<128x128xf32, #tpu.memory_space<vmem>>) offsets(%dma_start3A_105 : memref<128xi32, #tpu.memory_space<vmem>>) semaphore(%arg16 : memref<!tpu.dma_semaphore, #tpu.memory_space<semaphore_mem>>)
    %dma_start3A_109 = arith.constant 384 : i32
    %dma_start3A_110 = tpu.memref_slice %arg8[%dma_start3A_109] : memref<512xi32, #tpu.memory_space<vmem>> -> memref<128xi32, #tpu.memory_space<vmem>>
    %dma_start3A_111 = arith.constant 58 : i32
    %dma_start3A_112 = arith.constant 0 : i32
    %dma_start3A_113 = tpu.memref_slice %arg15[%dma_start3A_111, %dma_start3A_112] : memref<60x128xf32, #tpu.memory_space<vmem_shared>> -> memref<2x128xf32, #tpu.memory_space<vmem_shared>>
    %dma_start3A_114 = arith.constant 0 : i32
    %dma_start3A_115 = arith.constant 0 : i32
    %dma_start3A_116 = tpu.memref_slice %dma_start3A_113[%dma_start3A_114, %dma_start3A_115] : memref<2x128xf32, #tpu.memory_space<vmem_shared>> -> memref<2x128xf32, #tpu.memory_space<vmem_shared>>
    tpu.enqueue_indirect_dma source(%dma_start3A_116 : memref<2x128xf32, #tpu.memory_space<vmem_shared>>) target(%arg12 : memref<128x128xf32, #tpu.memory_space<vmem>>) offsets(%dma_start3A_110 : memref<128xi32, #tpu.memory_space<vmem>>) semaphore(%arg16 : memref<!tpu.dma_semaphore, #tpu.memory_space<semaphore_mem>>)
    %dma_wait3A_117 = arith.constant 256 : i32
    %dma_wait3A_118 = tpu.memref_slice %arg7[%dma_wait3A_117] : memref<512xi32, #tpu.memory_space<vmem>> -> memref<128xi32, #tpu.memory_space<vmem>>
    %dma_wait3A_119 = arith.constant 0 : i32
    %dma_wait3A_120 = arith.constant 0 : i32
    %dma_wait3A_121 = tpu.memref_slice %arg15[%dma_wait3A_119, %dma_wait3A_120] : memref<60x128xf32, #tpu.memory_space<vmem_shared>> -> memref<60x128xf32, #tpu.memory_space<vmem_shared>>
    tpu.wait_indirect_dma semaphore(%arg18 : memref<!tpu.dma_semaphore, #tpu.memory_space<semaphore_mem>>) src(%dma_wait3A_121 : memref<60x128xf32, #tpu.memory_space<vmem_shared>>) dst(%arg11 : memref<128x128xf32, #tpu.memory_space<vmem>>)
    %dma_wait3A_122 = arith.constant 256 : i32
    %dma_wait3A_123 = tpu.memref_slice %arg8[%dma_wait3A_122] : memref<512xi32, #tpu.memory_space<vmem>> -> memref<128xi32, #tpu.memory_space<vmem>>
    %dma_wait3A_124 = arith.constant 58 : i32
    %dma_wait3A_125 = arith.constant 0 : i32
    %dma_wait3A_126 = tpu.memref_slice %arg15[%dma_wait3A_124, %dma_wait3A_125] : memref<60x128xf32, #tpu.memory_space<vmem_shared>> -> memref<2x128xf32, #tpu.memory_space<vmem_shared>>
    %dma_wait3A_127 = arith.constant 0 : i32
    %dma_wait3A_128 = arith.constant 0 : i32
    %dma_wait3A_129 = tpu.memref_slice %dma_wait3A_126[%dma_wait3A_127, %dma_wait3A_128] : memref<2x128xf32, #tpu.memory_space<vmem_shared>> -> memref<2x128xf32, #tpu.memory_space<vmem_shared>>
    tpu.wait_indirect_dma semaphore(%arg18 : memref<!tpu.dma_semaphore, #tpu.memory_space<semaphore_mem>>) src(%dma_wait3A_129 : memref<2x128xf32, #tpu.memory_space<vmem_shared>>) dst(%arg14 : memref<128x128xf32, #tpu.memory_space<vmem>>)
    %add3A_130 = arith.constant 256 : i32
    %add3A_131 = arith.addi %mul3A_2, %add3A_130 : i32
    %dma_start3A_132 = arith.constant 0 : i32
    %dma_start3A_133 = tpu.memref_slice %arg6[%add3A_131, %dma_start3A_132] : memref<16384x256xf32, #tpu.memory_space<hbm>> -> memref<128x128xf32, #tpu.memory_space<hbm>>
    %dma_start3A_134 = arith.constant 0 : i32
    %dma_start3A_135 = tpu.memref_slice %arg6[%add3A_131, %dma_start3A_134] : memref<16384x256xf32, #tpu.memory_space<hbm>> -> memref<128x128xf32, #tpu.memory_space<hbm>>
    tpu.enqueue_dma source(%arg11 : memref<128x128xf32, #tpu.memory_space<vmem>>) target(%dma_start3A_135 : memref<128x128xf32, #tpu.memory_space<hbm>>) target_semaphore(%arg21 : memref<!tpu.dma_semaphore, #tpu.memory_space<semaphore_mem>>)
    %dma_start3A_136 = arith.constant 128 : i32
    %dma_start3A_137 = tpu.memref_slice %arg6[%add3A_131, %dma_start3A_136] : memref<16384x256xf32, #tpu.memory_space<hbm>> -> memref<128x128xf32, #tpu.memory_space<hbm>>
    %dma_start3A_138 = arith.constant 128 : i32
    %dma_start3A_139 = tpu.memref_slice %arg6[%add3A_131, %dma_start3A_138] : memref<16384x256xf32, #tpu.memory_space<hbm>> -> memref<128x128xf32, #tpu.memory_space<hbm>>
    tpu.enqueue_dma source(%arg14 : memref<128x128xf32, #tpu.memory_space<vmem>>) target(%dma_start3A_139 : memref<128x128xf32, #tpu.memory_space<hbm>>) target_semaphore(%arg21 : memref<!tpu.dma_semaphore, #tpu.memory_space<semaphore_mem>>)
    %dma_wait3A_140 = arith.constant 384 : i32
    %dma_wait3A_141 = tpu.memref_slice %arg7[%dma_wait3A_140] : memref<512xi32, #tpu.memory_space<vmem>> -> memref<128xi32, #tpu.memory_space<vmem>>
    %dma_wait3A_142 = arith.constant 0 : i32
    %dma_wait3A_143 = arith.constant 0 : i32
    %dma_wait3A_144 = tpu.memref_slice %arg15[%dma_wait3A_142, %dma_wait3A_143] : memref<60x128xf32, #tpu.memory_space<vmem_shared>> -> memref<60x128xf32, #tpu.memory_space<vmem_shared>>
    tpu.wait_indirect_dma semaphore(%arg16 : memref<!tpu.dma_semaphore, #tpu.memory_space<semaphore_mem>>) src(%dma_wait3A_144 : memref<60x128xf32, #tpu.memory_space<vmem_shared>>) dst(%arg9 : memref<128x128xf32, #tpu.memory_space<vmem>>)
    %dma_wait3A_145 = arith.constant 384 : i32
    %dma_wait3A_146 = tpu.memref_slice %arg8[%dma_wait3A_145] : memref<512xi32, #tpu.memory_space<vmem>> -> memref<128xi32, #tpu.memory_space<vmem>>
    %dma_wait3A_147 = arith.constant 58 : i32
    %dma_wait3A_148 = arith.constant 0 : i32
    %dma_wait3A_149 = tpu.memref_slice %arg15[%dma_wait3A_147, %dma_wait3A_148] : memref<60x128xf32, #tpu.memory_space<vmem_shared>> -> memref<2x128xf32, #tpu.memory_space<vmem_shared>>
    %dma_wait3A_150 = arith.constant 0 : i32
    %dma_wait3A_151 = arith.constant 0 : i32
    %dma_wait3A_152 = tpu.memref_slice %dma_wait3A_149[%dma_wait3A_150, %dma_wait3A_151] : memref<2x128xf32, #tpu.memory_space<vmem_shared>> -> memref<2x128xf32, #tpu.memory_space<vmem_shared>>
    tpu.wait_indirect_dma semaphore(%arg16 : memref<!tpu.dma_semaphore, #tpu.memory_space<semaphore_mem>>) src(%dma_wait3A_152 : memref<2x128xf32, #tpu.memory_space<vmem_shared>>) dst(%arg12 : memref<128x128xf32, #tpu.memory_space<vmem>>)
    %add3A_153 = arith.constant 384 : i32
    %add3A_154 = arith.addi %mul3A_2, %add3A_153 : i32
    %dma_start3A_155 = arith.constant 0 : i32
    %dma_start3A_156 = tpu.memref_slice %arg6[%add3A_154, %dma_start3A_155] : memref<16384x256xf32, #tpu.memory_space<hbm>> -> memref<128x128xf32, #tpu.memory_space<hbm>>
    %dma_start3A_157 = arith.constant 0 : i32
    %dma_start3A_158 = tpu.memref_slice %arg6[%add3A_154, %dma_start3A_157] : memref<16384x256xf32, #tpu.memory_space<hbm>> -> memref<128x128xf32, #tpu.memory_space<hbm>>
    tpu.enqueue_dma source(%arg9 : memref<128x128xf32, #tpu.memory_space<vmem>>) target(%dma_start3A_158 : memref<128x128xf32, #tpu.memory_space<hbm>>) target_semaphore(%arg19 : memref<!tpu.dma_semaphore, #tpu.memory_space<semaphore_mem>>)
    %dma_start3A_159 = arith.constant 128 : i32
    %dma_start3A_160 = tpu.memref_slice %arg6[%add3A_154, %dma_start3A_159] : memref<16384x256xf32, #tpu.memory_space<hbm>> -> memref<128x128xf32, #tpu.memory_space<hbm>>
    %dma_start3A_161 = arith.constant 128 : i32
    %dma_start3A_162 = tpu.memref_slice %arg6[%add3A_154, %dma_start3A_161] : memref<16384x256xf32, #tpu.memory_space<hbm>> -> memref<128x128xf32, #tpu.memory_space<hbm>>
    tpu.enqueue_dma source(%arg12 : memref<128x128xf32, #tpu.memory_space<vmem>>) target(%dma_start3A_162 : memref<128x128xf32, #tpu.memory_space<hbm>>) target_semaphore(%arg19 : memref<!tpu.dma_semaphore, #tpu.memory_space<semaphore_mem>>)
    %dma_wait3A_163 = arith.constant 0 : i32
    %dma_wait3A_164 = tpu.memref_slice %arg6[%add3A_131, %dma_wait3A_163] : memref<16384x256xf32, #tpu.memory_space<hbm>> -> memref<128x128xf32, #tpu.memory_space<hbm>>
    %dma_wait3A_165 = arith.constant 0 : i32
    %dma_wait3A_166 = tpu.memref_slice %arg6[%add3A_131, %dma_wait3A_165] : memref<16384x256xf32, #tpu.memory_space<hbm>> -> memref<128x128xf32, #tpu.memory_space<hbm>>
    tpu.wait_dma2 semaphore(%arg21 : memref<!tpu.dma_semaphore, #tpu.memory_space<semaphore_mem>>) src(%arg11 : memref<128x128xf32, #tpu.memory_space<vmem>>) dst(%dma_wait3A_166 : memref<128x128xf32, #tpu.memory_space<hbm>>)
    %dma_wait3A_167 = arith.constant 128 : i32
    %dma_wait3A_168 = tpu.memref_slice %arg6[%add3A_131, %dma_wait3A_167] : memref<16384x256xf32, #tpu.memory_space<hbm>> -> memref<128x128xf32, #tpu.memory_space<hbm>>
    %dma_wait3A_169 = arith.constant 128 : i32
    %dma_wait3A_170 = tpu.memref_slice %arg6[%add3A_131, %dma_wait3A_169] : memref<16384x256xf32, #tpu.memory_space<hbm>> -> memref<128x128xf32, #tpu.memory_space<hbm>>
    tpu.wait_dma2 semaphore(%arg21 : memref<!tpu.dma_semaphore, #tpu.memory_space<semaphore_mem>>) src(%arg14 : memref<128x128xf32, #tpu.memory_space<vmem>>) dst(%dma_wait3A_170 : memref<128x128xf32, #tpu.memory_space<hbm>>)
    %dma_wait3A_171 = arith.constant 0 : i32
    %dma_wait3A_172 = tpu.memref_slice %arg6[%add3A_154, %dma_wait3A_171] : memref<16384x256xf32, #tpu.memory_space<hbm>> -> memref<128x128xf32, #tpu.memory_space<hbm>>
    %dma_wait3A_173 = arith.constant 0 : i32
    %dma_wait3A_174 = tpu.memref_slice %arg6[%add3A_154, %dma_wait3A_173] : memref<16384x256xf32, #tpu.memory_space<hbm>> -> memref<128x128xf32, #tpu.memory_space<hbm>>
    tpu.wait_dma2 semaphore(%arg19 : memref<!tpu.dma_semaphore, #tpu.memory_space<semaphore_mem>>) src(%arg9 : memref<128x128xf32, #tpu.memory_space<vmem>>) dst(%dma_wait3A_174 : memref<128x128xf32, #tpu.memory_space<hbm>>)
    %dma_wait3A_175 = arith.constant 128 : i32
    %dma_wait3A_176 = tpu.memref_slice %arg6[%add3A_154, %dma_wait3A_175] : memref<16384x256xf32, #tpu.memory_space<hbm>> -> memref<128x128xf32, #tpu.memory_space<hbm>>
    %dma_wait3A_177 = arith.constant 128 : i32
    %dma_wait3A_178 = tpu.memref_slice %arg6[%add3A_154, %dma_wait3A_177] : memref<16384x256xf32, #tpu.memory_space<hbm>> -> memref<128x128xf32, #tpu.memory_space<hbm>>
    tpu.wait_dma2 semaphore(%arg19 : memref<!tpu.dma_semaphore, #tpu.memory_space<semaphore_mem>>) src(%arg12 : memref<128x128xf32, #tpu.memory_space<vmem>>) dst(%dma_wait3A_178 : memref<128x128xf32, #tpu.memory_space<hbm>>)
    return
  }
}

</mosaic_0001>

<sc_bundles>
// kernel: kernel.3.cloned.1.call-start
scs
__scs_entry_jumppad:
0x0: {  	(pc) =	sbr.rel $0x88, $3  }
0x1: {  	(tag) =	ssettag $0x0;
	lr =	simm.s32 $0x1  }
0x2: {  	[smem:$0x3F9D] =	sst lr;
	_ =	strace $0xD0000000  }
0x3: {  	_ = 	snop  }
0x4: {  	_ = 	snop  }
0x5: {  	_ = 	snop  }
0x6: {  	_ = 	snop  }
0x7: {  	_ = 	snop  }
__scs_overlays_trampoline_lowered:
0x8: {  	[smem:$0x3FAC] =	sst s0  }
0x9: {  	[smem:$0x3FAD] =	sst s1  }
0xa: {  	[smem:$0x3FAE] =	sst s2  }
0xb: {  	[smem:$0x3FAF] =	sst s3  }
0xc: {  	[smem:$0x3FB0] =	sst s4  }
0xd: {  	[smem:$0x3FB1] =	sst s5  }
0xe: {  	[smem:$0x3FB2] =	sst s6  }
0xf: {  	[smem:$0x3FB3] =	sst s7  }
0x10: {  	[smem:$0x3FB4] =	sst s8  }
0x11: {  	[smem:$0x3FB5] =	sst s9;
	s0 =	simm.s32 @!p0 $0x0  }
0x12: {  	s1 =	sld [smem:$0x3F9B];
	s0 =	simm.s32 @p0 $0x1  }
0x13: {  	[smem:$0x3FB6] =	sst s0;
	s0 =	simm.s32 @!p1 $0x0  }
0x14: {  	s2 =	sld [smem:$0x3F9A];
	s0 =	simm.s32 @p1 $0x1  }
0x15: {  	[smem:$0x3FB7] =	sst s0;
	s0 =	simm.s32 @!p2 $0x0  }
0x16: {  	s3 =	sld [smem:$0x3FDB];
	s0 =	simm.s32 @p2 $0x1  }
0x17: {  	s4 =	simm.s32 $0x1BF5;
	[smem:$0x3FB9] =	sst s0  }
0x18: {  	s0 =	sld [smem:$0x3F9C];
	_ =	swait.ge [sflag:s4], $0x0  }
0x19: {  	s7 =	sld [smem:$0x3F9D]  }
0x1a: {  	s8 =	sadd.s32 $0xFFFFE003, lr  }
0x1b: {  	s9 =	sadd.s32 $0xFFFFFEF7, lr;
	s5 =	simm.s32 $0xFFFFFFFF;
	p2 =	slt.u32 s8, $0xFFFFF086  }
0x1c: {  	p1 =	slt.u32 s9, $0xF7A;
	s5 =	simm.s32 @!p2 $0x0  }
0x1d: {  	s5 =	simm.s32 @p1 $0x1;
	p0 =	seq.s32 s7, s2  }
0x1e: {  	s7 =	smul.u32 @!p0 $0xF7A, s2;
	p2 =	seq.s32 @!p0 s5, $0x0  }
0x1f: {  	s9 =	smul.u32 $0xF7A, s1;
	s8 =	simm.s32 @!p0 $0x1BF5;
	p2 =	por !p2, p0  }
0x20: {  	[sflag:s8] =	ssyncset.s32 @!p0 $0xFFFFF086;
	s6 =	sadd.s32 @!p0 s3, s7;
	s7 =	simm.s32 @!p0 $0x108  }
0x21: {  	s3 =	sadd.s32 s3, s9;
	s6 =	sadd.s32 @!p0 $0x88, s6;
	s7 =	simm.s32 @p2 $0x1082  }
0x22: {  	[simem:s7], [sflag:s8] =	dma.local @!p0 [hbm:s6], $0xF7A  }
0x23: {  	s9 =	sor.u32 $0xD0000000, s2;
	s6 =	simm.s32 $0x108;
	_ =	swait.ge @!p0 [sflag:s8], $0x0  }
0x24: {  	s3 =	sadd.s32 $0x88, s3;
	s6 =	simm.s32 @!p1 $0x1082;
	[sflag:s4] =	ssyncset.s32 $0xFFFFF086  }
0x25: {  	[simem:s6], [sflag:s4] =	dma.local [hbm:s3], $0xF7A  }
0x26: {  	[smem:$0x3F9D] =	sst s1;
	(tag) =	ssettag s2;
	_ =	strace s9  }
0x27: {  	s1 =	sld [smem:$0x3FAD]  }
0x28: {  	s2 =	sld [smem:$0x3FAE]  }
0x29: {  	s4 =	sld [smem:$0x3FB0]  }
0x2a: {  	p0 =	seq.s32 s5, $0x0;
	s5 =	sld [smem:$0x3FB1]  }
0x2b: {  	s6 =	sld [smem:$0x3FB2]  }
0x2c: {  	s7 =	sld [smem:$0x3FB3]  }
0x2d: {  	s3 =	simm.s32 $0x108;
	s8 =	sld [smem:$0x3FB4]  }
0x2e: {  	s3 =	simm.s32 @!p0 $0x1082;
	s9 =	sld [smem:$0x3FB5]  }
0x2f: {  	lr =	sadd.s32 s0, s3;
	s0 =	sld [smem:$0x3FAC]  }
0x30: {  	s3 =	sld [smem:$0x3FAF]  }
0x31: {  	[smem:$0x3FB8] =	sst s10  }
0x32: {  	s10 =	sld [smem:$0x3FB6];
	_ =	sdelay $0x3  }
0x33: {  	p0 =	seq.s32 s10, $0x1;
	s10 =	sld [smem:$0x3FB8];
	_ =	sdelay $0x3  }
0x34: {  	[smem:$0x3FB8] =	sst s10  }
0x35: {  	s10 =	sld [smem:$0x3FB7];
	_ =	sdelay $0x3  }
0x36: {  	p1 =	seq.s32 s10, $0x1;
	s10 =	sld [smem:$0x3FB8];
	_ =	sdelay $0x3  }
0x37: {  	[smem:$0x3FB8] =	sst s10  }
0x38: {  	s10 =	sld [smem:$0x3FB9]  }
0x39: {  	_ = 	snop;
	(pc) =	sbr.ind lr, $3  }
0x3a: {  	_ = 	snop  }
0x3b: {  	_ = 	snop  }
0x3c: {  	p2 =	seq.s32 s10, $0x1;
	s10 =	sld [smem:$0x3FB8]  }
0x3d: {  	_ =	shalt  }
0x3e: {  	_ =	shalt  }
0x3f: {  	_ =	shalt  }
0x40: {  	_ =	shalt  }
0x41: {  	_ =	shalt  }
0x42: {  	_ =	shalt  }
0x43: {  	_ =	shalt  }
0x44: {  	_ =	shalt  }
0x45: {  	_ =	shalt  }
0x46: {  	_ =	shalt  }
0x47: {  	_ =	shalt  }
0x48: {  	_ =	shalt  }
0x49: {  	_ =	shalt  }
0x4a: {  	_ =	shalt  }
0x4b: {  	_ =	shalt  }
0x4c: {  	_ =	shalt  }
0x4d: {  	_ =	shalt  }
0x4e: {  	_ =	shalt  }
0x4f: {  	_ =	shalt  }
0x50: {  	_ =	shalt  }
0x51: {  	_ =	shalt  }
0x52: {  	_ =	shalt  }
0x53: {  	_ =	shalt  }
0x54: {  	_ =	shalt  }
0x55: {  	_ =	shalt  }
0x56: {  	_ =	shalt  }
0x57: {  	_ =	shalt  }
0x58: {  	_ =	shalt  }
0x59: {  	_ =	shalt  }
0x5a: {  	_ =	shalt  }
0x5b: {  	_ =	shalt  }
0x5c: {  	_ =	shalt  }
0x5d: {  	_ =	shalt  }
0x5e: {  	_ =	shalt  }
0x5f: {  	_ =	shalt  }
0x60: {  	_ =	shalt  }
0x61: {  	_ =	shalt  }
0x62: {  	_ =	shalt  }
0x63: {  	_ =	shalt  }
0x64: {  	_ =	shalt  }
0x65: {  	_ =	shalt  }
0x66: {  	_ =	shalt  }
0x67: {  	_ =	shalt  }
0x68: {  	_ =	shalt  }
0x69: {  	_ =	shalt  }
0x6a: {  	_ =	shalt  }
0x6b: {  	_ =	shalt  }
0x6c: {  	_ =	shalt  }
0x6d: {  	_ =	shalt  }
0x6e: {  	_ =	shalt  }
0x6f: {  	_ =	shalt  }
0x70: {  	_ =	shalt  }
0x71: {  	_ =	shalt  }
0x72: {  	_ =	shalt  }
0x73: {  	_ =	shalt  }
0x74: {  	_ =	shalt  }
0x75: {  	_ =	shalt  }
0x76: {  	_ =	shalt  }
0x77: {  	_ =	shalt  }
0x78: {  	_ =	shalt  }
0x79: {  	_ =	shalt  }
0x7a: {  	_ =	shalt  }
0x7b: {  	_ =	shalt  }
0x7c: {  	_ =	shalt  }
0x7d: {  	_ =	shalt  }
0x7e: {  	_ =	shalt  }
0x7f: {  	_ =	shalt  }
0x80: {  	_ =	shalt  }
0x81: {  	_ =	shalt  }
0x82: {  	_ =	shalt  }
0x83: {  	_ =	shalt  }
0x84: {  	_ =	shalt  }
0x85: {  	_ =	shalt  }
0x86: {  	_ =	shalt  }
0x87: {  	_ =	shalt  }
.Lfunc_end0:
.L_simem_size_0:
called_computation_lowered:
.L_overlay_start_0:
0x88: {  	s2 =	sld [smem:$0x3FD9]  }
0x89: {  	s3 =	sld [smem:$0x3FFE];
	_ =	sdelay $0x1  }
0x8a: {  	s1 =	srdreg.scid  }
0x8b: {  	s0 =	sand.u32 $0x1, s1  }
0x8c: {  	s18 =	sshll.u32 s0, $0xA;
	s2 =	sadd.s32 s3, s2  }
0x8d: {  	s2 =	sadd.s32 s2, s18  }
0x8e: {  	[smem:$0x3FC4] =	sst s2  }
0x8f: {  	_ = 	snop  }
0x90: {  	s2 =	sld [smem:$0x3FC9]  }
0x91: {  	s19 =	sld [smem:$0x3FC8]  }
0x92: {  	s4 =	sld [smem:$0x3FC7]  }
0x93: {  	s5 =	sld [smem:$0x3FC6]  }
0x94: {  	s6 =	sld [smem:$0x3FD0];
	(tm) =	ssettm $0x1  }
0x95: {  	s7 =	sld [smem:$0x3FFB];
	_ =	sdelay $0x3  }
0x96: {  	_ =	strace s7  }
0x97: {  	s7 =	sld [smem:$0x3FFC];
	_ =	sdelay $0x3  }
0x98: {  	_ =	strace s7  }
0x99: {  	s7 =	sld [smem:$0x3FFD];
	_ =	sdelay $0x3  }
0x9a: {  	_ =	strace s7  }
0x9b: {  	_ =	strace $0x8FFFFFFF  }
0x9c: {  	s20 =	sld [smem:$0x3FDB];
	_ =	sdelay $0x1  }
0x9d: {  	s8 =	simm.s32 $_scs_section_size  }
0x9e: {  	s9 =	simm.s32 $_size__tile_overlayer_lowered;
	s10 =	simm.s32 $_tile_overlayer_lowered  }
0x9f: {  	s23 =	simm.s32 $0x1BFF;
	s22 =	sshll.u32 s10, $0x1;
	s7 =	sadd.s32 s8, s20  }
0xa0: {  	s11 =	simm.s32 $0x0;
	s21 =	sshll.u32 s9, $0x1;
	s9 =	sadd.s32 s22, s7  }
0xa1: {  	[timem:s11], [sflag:s23] =	dma.local [hbm:s9], s21  }
0xa2: {  	_ =	swait.ge [sflag:s23], s21  }
0xa3: {  	s8 =	ssub.s32 $0x0, s21;
	[sflag:s23] =	ssyncset.done $0x0  }
0xa4: {  	[sflag:s23] =	ssyncadd.s32 s8;
	_ =	sdelay $0x1  }
0xa5: {  	s24 =	simm.s32 $0x1B8B  }
0xa6: {  	_ =	swait.ge [sflag:s24], $0x1  }
0xa7: {  	[sflag:s24] =	ssyncset.done $0x0  }
0xa8: {  	s25 =	simm.s32 $0x1B8E;
	[sflag:s24] =	ssyncadd.s32 $0xFFFFFFFF  }
0xa9: {  	s26 =	simm.s32 $execute0_lowered;
	[smem:$0x3FD2] =	sst s25  }
0xaa: {  	s8 =	sshll.u32 s26, $0x1;
	_ =	strace $0x80000046;
	[dreg:$0x1] =	wrdreg $0xFFFFFFFF  }
0xab: {  	s28 =	simm.s32 $_size_execute0_lowered;
	s7 =	sadd.s32 s7, s8;
	[dreg:$0x0] =	wrdreg $0x0  }
0xac: {  	s8 =	sshll.u32 s28, $0x1;
	[dreg:$0x2] =	wrdreg s7  }
0xad: {  	[dreg:$0x3] =	wrdreg s8  }
0xae: {  	[dreg:$0x4] =	wrdreg $0xC0  }
0xaf: {  	_ =	task [dreg:s11], $0x5FFFF  }
0xb0: {  	[dreg:$0x1] =	wrdreg $0xFFFFFFFF  }
0xb1: {  	[dreg:$0x0] =	wrdreg $0x60  }
0xb2: {  	[dreg:$0x2] =	wrdreg s2  }
0xb3: {  	[dreg:$0x3] =	wrdreg s19  }
0xb4: {  	[dreg:$0x4] =	wrdreg s4  }
0xb5: {  	[dreg:$0x5] =	wrdreg s5  }
0xb6: {  	[dreg:$0x6] =	wrdreg s6  }
0xb7: {  	[dreg:$0x7] =	wrdreg $0x184000  }
0xb8: {  	[dreg:$0x8] =	wrdreg $0x9  }
0xb9: {  	_ =	task.clear_ibuf [dreg:s11], $0x9FFFF;
	_ =	strace $0x90000046  }
0xba: {  	s29 =	simm.s32 $0x9;
	_ =	strace $0x80000048  }
0xbb: {  	_ =	swait.ge [sflag:s29], $0x1  }
0xbc: {  	[sflag:s29] =	ssyncadd.s32 $0xFFFFFFFF  }
0xbd: {  	_ =	strace $0x90000048  }
0xbe: {  	_ =	sfence  }
0xbf: {  	s30 =	sld [smem:$0x0];
	_ =	sdelay $0x2  }
0xc0: {  	s31 =	sshll.u32 s1, $0xD;
	s1 =	sshrl.u32 s1, $0x2  }
0xc1: {  	s3 =	sand.u32 $0x4000, s31;
	s1 =	sadd.s32 s1, s30  }
0xc2: {  	s0 =	sor.u32 s3, s0;
	s1 =	sshll.u32 s1, $0x11  }
0xc3: {  	s0 =	sor.u32 s1, s0  }
0xc4: {  	s0 =	sadd.s32 $0x8F2B, s0  }
0xc5: {  	[sflag:s0] =	ssyncadd.remote.s32 $0x1  }
0xc6: {  	_ =	sfence.sel $0xFFFF  }
0xc7: {  	[dreg:$0x0] =	wrdreg $0xFFFFFFFF;
	(pc) =	sbr.abs _section_cstart, $3  }
0xc8: {  	[dreg:$0x1] =	wrdreg $0xFFFFFFFF  }
0xc9: {  	_ =	task.clear_ibuf [dreg:s11], $0x2FFFF;
	_ =	strace $0x9FFFFFFF  }
0xca: {  	(tm) =	ssettm $0x7FFFFFFF  }
0xcb: {  	_ =	shalt  }
tec
execute0_lowered:
.L_overlay_start_1:
0x0: {  	(tag) =	ssettag $0x1  }
0x1: {  	s0 =	rddreg [dreg:$0x0]  }
0x2: {  	s2 =	rddreg [dreg:$0x1]  }
0x3: {  	s1 =	rddreg [dreg:$0x2]  }
0x4: {  	s17 =	rddreg [dreg:$0x3]  }
0x5: {  	s18 =	srdreg.scid;
	s3 =	rddreg [dreg:$0x4]  }
0x6: {  	s4 =	stileid.u32;
	s26 =	rddreg [dreg:$0x6];
	s10 =	simm.s32 $0x0  }
0x7: {  	s15 =	simm.s32 $0x2;
	s12 =	simm.s32 $0x80;
	s16 =	simm.s32 $0x4400  }
0x8: {  	s11 =	simm.s32 $0x8400;
	s13 =	simm.s32 $0x14400;
	[dreg:$0x7] =	wrdreg s1  }
0x9: {  	s14 =	simm.s32 $0x3;
	p1 =	por $0x0, $0x0;
	[dreg:$0x8] =	wrdreg s17  }
0xa: {  	s8 =	simm.s32 $0x6;
	s5 =	sand.u32 $0x1, s18;
	s1 =	rddreg [dreg:$0x5]  }
0xb: {  	s6 =	sshll.u32 s4, $0xA;
	[smem:$0x7FF] =	sst s10;
	p0 =	sne.s32 s4, $0x0  }
0xc: {  	s4 =	simm.s32 $0x400;
	s17 =	simm.s32 $0x10400;
	s7 =	sshll.u32 s5, $0x9  }
0xd: {  	_ =	strace $0x80000047;
	s22 =	ssub.s32 $0x2, s5;
	s6 =	sor.u32 s7, s6  }
0xe: {  	s5 =	simm.s32 $0xC400;
	s24 =	sshrl.u32 s22, $0x1;
	s7 =	sshrl.u32 s6, $0x3  }
0xf: {  	s6 =	sshll.u32 s6, $0x5;
	s0 =	sadd.s32 s0, s7;
	s19 =	sadd.s32 s2, s7  }
0x10: {  	s9 =	sadd.s32 s3, s6;
	s2 =	ssub.s32 s22, s24;
	[dreg:$0x9] =	wrdreg s0  }
0x11: {  	s7 =	sadd.s32 $0x1D00, s1;
	s22 =	simm.s32 $0x200;
	[dreg:$0xa] =	wrdreg s19  }
0x12: {  	s3 =	simm.s32 $0x1;
	s20 =	sadd.s32 $0x80, s9;
	s0 =	rddreg [dreg:$0x7]  }
0x13: {  	s21 =	sadd.s32 $0x1000, s9;
	s31 =	smax.u32 s2, $0x1;
	[dreg:$0xb] =	wrdreg s20  }
0x14: {  	s23 =	sadd.s32 $0x1080, s9;
	[dreg:$0xc] =	wrdreg s21;
	s18 =	sadd.s32 $0xFFFFFFFF, s31  }
0x15: {  	s25 =	sadd.s32 $0x2000, s9;
	[dreg:$0xd] =	wrdreg s23;
	p2 =	sne.s32 s18, $0x0  }
.Ltmp0:
0x16: {  	s28 =	sadd.s32 $0x2080, s9;
	[dreg:$0xe] =	wrdreg s25;
	(pc) =	sbr.rel @!p2 .LBB2_1-.Ltmp0, $4  }
0x17: {  	s6 =	simm.s32 $0x800;
	s29 =	sadd.s32 $0x3000, s9;
	[dreg:$0xf] =	wrdreg s28  }
0x18: {  	s30 =	sadd.s32 $0x3080, s9;
	s24 =	sshrl.u32 @!p0 s7, $0x3;
	[dreg:$0x10] =	wrdreg s29  }
0x19: {  	s2 =	simm.s32 $0x4;
	[dreg:$0x11] =	wrdreg s30;
	s25 =	sshrl.u32 @!p0 s1, $0x3  }
0x1a: {  	s23 =	simm.s32 $0x280;
	s20 =	simm.s32 $0x100;
	s21 =	simm.s32 $0x300  }
0x1b: {  	s26 =	simm.s32 @!p0 $0x1C04  }
0x1c: {  	[spmem:s25], [sflag:s26] =	dma.local @!p0 [hbm:s0], $0x3A0  }
0x1d: {  	s29 =	simm.s32 @!p0 $0x4;
	s26 =	simm.s32 @!p0 $0x1C05;
	s0 =	rddreg [dreg:$0x8]  }
0x1e: {  	[spmem:s24], [sflag:s26] =	dma.local @!p0 [hbm:s0], $0x20  }
0x1f: {  	_ =	swait.ge @!p0 [sflag:s29], $0x3A0  }
0x20: {  	[sflag:s29] =	ssyncset.done @!p0 $0x0  }
0x21: {  	s30 =	simm.s32 @!p0 $0x5;
	[sflag:s29] =	ssyncadd.s32 @!p0 $0xFFFFFC60  }
0x22: {  	_ =	swait.ge @!p0 [sflag:s30], $0x20  }
0x23: {  	[sflag:s30] =	ssyncset.done @!p0 $0x0  }
0x24: {  	s26 =	rddreg [dreg:$0x9];
	[sflag:s30] =	ssyncadd.s32 @!p0 $0xFFFFFFE0  }
0x25: {  	[tilespmem:s10], [sflag:$0x1] =	stream.linear.gather [hbm4b:s26+s10], $0x200, $0x38;
	[tilespmem:$0x185E0] =	vst v63  }
0x26: {  	s31 =	rddreg [dreg:$0xa]  }
0x27: {  	[tilespmem:s22], [sflag:$0x2] =	stream.linear.gather [hbm4b:s31+s10], $0x200, $0x38;
	[tilespmem:$0x185E0] =	vst v63  }
0x28: {  	_ =	swait.ge [sflag:s3], $0x200  }
0x29: {  	[sflag:s3] =	ssyncset.done $0x0  }
0x2a: {  	[sflag:s3] =	ssyncadd.s32 $0xFFFFFE00  }
0x2b: {  	_ =	swait.ge [sflag:s15], $0x200  }
0x2c: {  	[sflag:s15] =	ssyncset.done $0x0  }
0x2d: {  	[sflag:s15] =	ssyncadd.s32 $0xFFFFFE00  }
0x2e: {  	[bflag:$0x0] =	sbarrier.arrive $0xFFFF  }
0x2f: {  	[tilespmem:s4], [sflag:$0x1] =	stream.indirect.gather [spmem:s1], $0x80, s10, s12, $0xb8;
	[tilespmem:$0x185E0] =	vst v63  }
0x30: {  	_ = 	snop  }
0x31: {  	[tilespmem:s5], [sflag:$0x1] =	stream.indirect.gather [spmem:s7], $0x80, s22, s12, $0xb8;
	[tilespmem:$0x185E0] =	vst v63  }
0x32: {  	_ = 	snop  }
0x33: {  	[tilespmem:s16], [sflag:$0x2] =	stream.indirect.gather [spmem:s1], $0x80, s12, s12, $0xb8;
	[tilespmem:$0x185E0] =	vst v63  }
0x34: {  	_ = 	snop  }
0x35: {  	[tilespmem:s17], [sflag:$0x2] =	stream.indirect.gather [spmem:s7], $0x80, s23, s12, $0xb8;
	[tilespmem:$0x185E0] =	vst v63  }
0x36: {  	_ =	swait.ge [sflag:s3], $0x4000  }
0x37: {  	[sflag:s3] =	ssyncset.done $0x0  }
0x38: {  	[sflag:s3] =	ssyncadd.s32 $0xFFFFC000  }
0x39: {  	_ =	swait.ge [sflag:s3], $0x4000  }
0x3a: {  	[sflag:s3] =	ssyncset.done $0x0  }
0x3b: {  	[sflag:s3] =	ssyncadd.s32 $0xFFFFC000  }
0x3c: {  	[hbm4b:s9+s4] =	stream.strided.scatter [tilespmem:s4], [sflag:$0x4], $0x4000, s6, s4, $0x38;
	[tilespmem:$0x185E0] =	vst v63  }
0x3d: {  	s26 =	rddreg [dreg:$0xb]  }
0x3e: {  	[hbm4b:s26+s4] =	stream.strided.scatter [tilespmem:s5], [sflag:$0x4], $0x4000, s6, s4, $0x38;
	[tilespmem:$0x185E0] =	vst v63  }
0x3f: {  	_ = 	snop  }
0x40: {  	[tilespmem:s11], [sflag:$0x3] =	stream.indirect.gather [spmem:s1], $0x80, s20, s12, $0xb8;
	[tilespmem:$0x185E0] =	vst v63  }
0x41: {  	_ = 	snop  }
0x42: {  	[tilespmem:s13], [sflag:$0x3] =	stream.indirect.gather [spmem:s7], $0x80, s21, s12, $0xb8;
	[tilespmem:$0x185E0] =	vst v63  }
0x43: {  	_ =	swait.ge [sflag:s15], $0x4000  }
0x44: {  	[sflag:s15] =	ssyncset.done $0x0  }
0x45: {  	[sflag:s15] =	ssyncadd.s32 $0xFFFFC000  }
0x46: {  	_ =	swait.ge [sflag:s15], $0x4000  }
0x47: {  	[sflag:s15] =	ssyncset.done $0x0  }
0x48: {  	s20 =	rddreg [dreg:$0xc];
	[sflag:s15] =	ssyncadd.s32 $0xFFFFC000  }
0x49: {  	[hbm4b:s20+s4] =	stream.strided.scatter [tilespmem:s16], [sflag:$0x5], $0x4000, s6, s4, $0x38;
	[tilespmem:$0x185E0] =	vst v63  }
0x4a: {  	s31 =	rddreg [dreg:$0xd]  }
0x4b: {  	[hbm4b:s31+s4] =	stream.strided.scatter [tilespmem:s17], [sflag:$0x5], $0x4000, s6, s4, $0x38;
	[tilespmem:$0x185E0] =	vst v63  }
0x4c: {  	_ =	swait.ge [sflag:s2], $0x4000  }
0x4d: {  	[sflag:s2] =	ssyncset.done $0x0  }
0x4e: {  	[sflag:s2] =	ssyncadd.s32 $0xFFFFC000  }
0x4f: {  	_ =	swait.ge [sflag:s2], $0x4000  }
0x50: {  	[sflag:s2] =	ssyncset.done $0x0  }
0x51: {  	s19 =	simm.s32 $0x180;
	[sflag:s2] =	ssyncadd.s32 $0xFFFFC000  }
0x52: {  	[tilespmem:s4], [sflag:$0x1] =	stream.indirect.gather [spmem:s1], $0x80, s19, s12, $0xb8;
	[tilespmem:$0x185E0] =	vst v63  }
0x53: {  	s21 =	simm.s32 $0x380  }
0x54: {  	[tilespmem:s5], [sflag:$0x1] =	stream.indirect.gather [spmem:s7], $0x80, s21, s12, $0xb8;
	[tilespmem:$0x185E0] =	vst v63  }
0x55: {  	_ =	swait.ge [sflag:s14], $0x4000  }
0x56: {  	[sflag:s14] =	ssyncset.done $0x0  }
0x57: {  	[sflag:s14] =	ssyncadd.s32 $0xFFFFC000  }
0x58: {  	_ =	swait.ge [sflag:s14], $0x4000  }
0x59: {  	[sflag:s14] =	ssyncset.done $0x0  }
0x5a: {  	s23 =	rddreg [dreg:$0xe];
	[sflag:s14] =	ssyncadd.s32 $0xFFFFC000  }
0x5b: {  	[hbm4b:s23+s4] =	stream.strided.scatter [tilespmem:s11], [sflag:$0x6], $0x4000, s6, s4, $0x38;
	[tilespmem:$0x185E0] =	vst v63  }
0x5c: {  	s31 =	rddreg [dreg:$0xf]  }
0x5d: {  	[hbm4b:s31+s4] =	stream.strided.scatter [tilespmem:s13], [sflag:$0x6], $0x4000, s6, s4, $0x38;
	[tilespmem:$0x185E0] =	vst v63  }
0x5e: {  	_ =	swait.ge [sflag:s3], $0x4000  }
0x5f: {  	[sflag:s3] =	ssyncset.done $0x0  }
0x60: {  	[sflag:s3] =	ssyncadd.s32 $0xFFFFC000  }
0x61: {  	_ =	swait.ge [sflag:s3], $0x4000  }
0x62: {  	[sflag:s3] =	ssyncset.done $0x0  }
0x63: {  	s26 =	rddreg [dreg:$0x10];
	[sflag:s3] =	ssyncadd.s32 $0xFFFFC000  }
0x64: {  	[hbm4b:s26+s4] =	stream.strided.scatter [tilespmem:s4], [sflag:$0x4], $0x4000, s6, s4, $0x38;
	[tilespmem:$0x185E0] =	vst v63  }
0x65: {  	s31 =	rddreg [dreg:$0x11]  }
0x66: {  	[hbm4b:s31+s4] =	stream.strided.scatter [tilespmem:s5], [sflag:$0x4], $0x4000, s6, s4, $0x38;
	[tilespmem:$0x185E0] =	vst v63  }
0x67: {  	_ =	swait.ge [sflag:s8], $0x4000  }
0x68: {  	[sflag:s8] =	ssyncset.done $0x0  }
0x69: {  	[sflag:s8] =	ssyncadd.s32 $0xFFFFC000  }
0x6a: {  	_ =	swait.ge [sflag:s8], $0x4000  }
0x6b: {  	s31 =	sadd.s32 $0xFFFFFFFF, s18;
	[sflag:s8] =	ssyncset.done $0x0  }
0x6c: {  	p2 =	sne.s32 s31, $0x0;
	[sflag:s8] =	ssyncadd.s32 $0xFFFFC000  }
.Ltmp1:
0x6d: {  	_ =	swait.ge [sflag:s2], $0x4000;
	(pc) =	sbr.rel @!p2 .LBB2_3-.Ltmp1, $4  }
0x6e: {  	s28 =	simm.s32 @!p0 $0x1C05;
	p1 =	por $0x1, $0x1;
	[sflag:s2] =	ssyncset.done $0x0  }
0x6f: {  	s20 =	simm.s32 $0x380;
	s19 =	simm.s32 $0x180;
	[sflag:s2] =	ssyncadd.s32 $0xFFFFC000  }
0x70: {  	s21 =	simm.s32 $0x100;
	s23 =	simm.s32 $0x300;
	_ =	swait.ge [sflag:s2], $0x4000  }
0x71: {  	s26 =	simm.s32 $0x280;
	s0 =	rddreg [dreg:$0x7];
	[sflag:s2] =	ssyncset.done $0x0  }
.LBB2_4:
0x72: {  	[sflag:s2] =	ssyncadd.s32 $0xFFFFC000;
	s18 =	simm.s32 @!p0 $0x1C04  }
0x73: {  	[spmem:s25], [sflag:s18] =	dma.local @!p0 [hbm:s0], $0x3A0  }
0x74: {  	s0 =	rddreg [dreg:$0x8]  }
0x75: {  	[spmem:s24], [sflag:s28] =	dma.local @!p0 [hbm:s0], $0x20  }
0x76: {  	_ =	swait.ge @!p0 [sflag:s29], $0x3A0  }
0x77: {  	[sflag:s29] =	ssyncset.done @!p0 $0x0  }
0x78: {  	[sflag:s29] =	ssyncadd.s32 @!p0 $0xFFFFFC60  }
0x79: {  	_ =	swait.ge @!p0 [sflag:s30], $0x20  }
0x7a: {  	[sflag:s30] =	ssyncset.done @!p0 $0x0  }
0x7b: {  	s0 =	rddreg [dreg:$0x9];
	[sflag:s30] =	ssyncadd.s32 @!p0 $0xFFFFFFE0  }
0x7c: {  	[tilespmem:s10], [sflag:$0x1] =	stream.linear.gather [hbm4b:s0+s10], $0x200, $0x38;
	[tilespmem:$0x185E0] =	vst v63  }
0x7d: {  	s18 =	rddreg [dreg:$0xa]  }
0x7e: {  	[tilespmem:s22], [sflag:$0x2] =	stream.linear.gather [hbm4b:s18+s10], $0x200, $0x38;
	[tilespmem:$0x185E0] =	vst v63  }
0x7f: {  	_ =	swait.ge [sflag:s3], $0x200  }
0x80: {  	[sflag:s3] =	ssyncset.done $0x0  }
0x81: {  	[sflag:s3] =	ssyncadd.s32 $0xFFFFFE00  }
0x82: {  	_ =	swait.ge [sflag:s15], $0x200  }
0x83: {  	[sflag:s15] =	ssyncset.done $0x0  }
0x84: {  	[sflag:s15] =	ssyncadd.s32 $0xFFFFFE00  }
0x85: {  	[bflag:$0x0] =	sbarrier.arrive $0xFFFF  }
0x86: {  	[tilespmem:s4], [sflag:$0x1] =	stream.indirect.gather [spmem:s1], $0x80, s10, s12, $0xb8;
	[tilespmem:$0x185E0] =	vst v63  }
0x87: {  	_ = 	snop  }
0x88: {  	[tilespmem:s5], [sflag:$0x1] =	stream.indirect.gather [spmem:s7], $0x80, s22, s12, $0xb8;
	[tilespmem:$0x185E0] =	vst v63  }
0x89: {  	_ = 	snop  }
0x8a: {  	[tilespmem:s16], [sflag:$0x2] =	stream.indirect.gather [spmem:s1], $0x80, s12, s12, $0xb8;
	[tilespmem:$0x185E0] =	vst v63  }
0x8b: {  	_ = 	snop  }
0x8c: {  	[tilespmem:s17], [sflag:$0x2] =	stream.indirect.gather [spmem:s7], $0x80, s26, s12, $0xb8;
	[tilespmem:$0x185E0] =	vst v63  }
0x8d: {  	_ =	swait.ge [sflag:s3], $0x4000  }
0x8e: {  	[sflag:s3] =	ssyncset.done $0x0  }
0x8f: {  	[sflag:s3] =	ssyncadd.s32 $0xFFFFC000  }
0x90: {  	_ =	swait.ge [sflag:s3], $0x4000  }
0x91: {  	[sflag:s3] =	ssyncset.done $0x0  }
0x92: {  	[sflag:s3] =	ssyncadd.s32 $0xFFFFC000  }
0x93: {  	[hbm4b:s9+s4] =	stream.strided.scatter [tilespmem:s4], [sflag:$0x4], $0x4000, s6, s4, $0x38;
	[tilespmem:$0x185E0] =	vst v63  }
0x94: {  	s18 =	rddreg [dreg:$0xb]  }
0x95: {  	[hbm4b:s18+s4] =	stream.strided.scatter [tilespmem:s5], [sflag:$0x4], $0x4000, s6, s4, $0x38;
	[tilespmem:$0x185E0] =	vst v63  }
0x96: {  	_ = 	snop  }
0x97: {  	[tilespmem:s11], [sflag:$0x3] =	stream.indirect.gather [spmem:s1], $0x80, s21, s12, $0xb8;
	[tilespmem:$0x185E0] =	vst v63  }
0x98: {  	_ = 	snop  }
0x99: {  	[tilespmem:s13], [sflag:$0x3] =	stream.indirect.gather [spmem:s7], $0x80, s23, s12, $0xb8;
	[tilespmem:$0x185E0] =	vst v63  }
0x9a: {  	_ =	swait.ge [sflag:s15], $0x4000  }
0x9b: {  	[sflag:s15] =	ssyncset.done $0x0  }
0x9c: {  	[sflag:s15] =	ssyncadd.s32 $0xFFFFC000  }
0x9d: {  	_ =	swait.ge [sflag:s15], $0x4000  }
0x9e: {  	[sflag:s15] =	ssyncset.done $0x0  }
0x9f: {  	s0 =	rddreg [dreg:$0xc];
	[sflag:s15] =	ssyncadd.s32 $0xFFFFC000  }
0xa0: {  	[hbm4b:s0+s4] =	stream.strided.scatter [tilespmem:s16], [sflag:$0x5], $0x4000, s6, s4, $0x38;
	[tilespmem:$0x185E0] =	vst v63  }
0xa1: {  	s18 =	rddreg [dreg:$0xd]  }
0xa2: {  	[hbm4b:s18+s4] =	stream.strided.scatter [tilespmem:s17], [sflag:$0x5], $0x4000, s6, s4, $0x38;
	[tilespmem:$0x185E0] =	vst v63  }
0xa3: {  	_ =	swait.ge [sflag:s2], $0x4000  }
0xa4: {  	[sflag:s2] =	ssyncset.done $0x0  }
0xa5: {  	[sflag:s2] =	ssyncadd.s32 $0xFFFFC000  }
0xa6: {  	_ =	swait.ge [sflag:s2], $0x4000  }
0xa7: {  	[sflag:s2] =	ssyncset.done $0x0  }
0xa8: {  	[sflag:s2] =	ssyncadd.s32 $0xFFFFC000  }
0xa9: {  	[tilespmem:s4], [sflag:$0x1] =	stream.indirect.gather [spmem:s1], $0x80, s19, s12, $0xb8;
	[tilespmem:$0x185E0] =	vst v63  }
0xaa: {  	_ = 	snop  }
0xab: {  	[tilespmem:s5], [sflag:$0x1] =	stream.indirect.gather [spmem:s7], $0x80, s20, s12, $0xb8;
	[tilespmem:$0x185E0] =	vst v63  }
0xac: {  	_ =	swait.ge [sflag:s14], $0x4000  }
0xad: {  	[sflag:s14] =	ssyncset.done $0x0  }
0xae: {  	[sflag:s14] =	ssyncadd.s32 $0xFFFFC000  }
0xaf: {  	_ =	swait.ge [sflag:s14], $0x4000  }
0xb0: {  	[sflag:s14] =	ssyncset.done $0x0  }
0xb1: {  	s0 =	rddreg [dreg:$0xe];
	[sflag:s14] =	ssyncadd.s32 $0xFFFFC000  }
0xb2: {  	[hbm4b:s0+s4] =	stream.strided.scatter [tilespmem:s11], [sflag:$0x6], $0x4000, s6, s4, $0x38;
	[tilespmem:$0x185E0] =	vst v63  }
0xb3: {  	s18 =	rddreg [dreg:$0xf]  }
0xb4: {  	[hbm4b:s18+s4] =	stream.strided.scatter [tilespmem:s13], [sflag:$0x6], $0x4000, s6, s4, $0x38;
	[tilespmem:$0x185E0] =	vst v63  }
0xb5: {  	_ =	swait.ge [sflag:s3], $0x4000  }
0xb6: {  	[sflag:s3] =	ssyncset.done $0x0  }
0xb7: {  	[sflag:s3] =	ssyncadd.s32 $0xFFFFC000  }
0xb8: {  	_ =	swait.ge [sflag:s3], $0x4000  }
0xb9: {  	[sflag:s3] =	ssyncset.done $0x0  }
0xba: {  	s0 =	rddreg [dreg:$0x10];
	[sflag:s3] =	ssyncadd.s32 $0xFFFFC000  }
0xbb: {  	[hbm4b:s0+s4] =	stream.strided.scatter [tilespmem:s4], [sflag:$0x4], $0x4000, s6, s4, $0x38;
	[tilespmem:$0x185E0] =	vst v63  }
0xbc: {  	s18 =	rddreg [dreg:$0x11]  }
0xbd: {  	[hbm4b:s18+s4] =	stream.strided.scatter [tilespmem:s5], [sflag:$0x4], $0x4000, s6, s4, $0x38;
	[tilespmem:$0x185E0] =	vst v63  }
0xbe: {  	_ =	swait.ge [sflag:s8], $0x4000  }
0xbf: {  	[sflag:s8] =	ssyncset.done $0x0  }
0xc0: {  	[sflag:s8] =	ssyncadd.s32 $0xFFFFC000  }
0xc1: {  	_ =	swait.ge [sflag:s8], $0x4000  }
0xc2: {  	s31 =	sadd.s32 $0xFFFFFFFF, s31;
	[sflag:s8] =	ssyncset.done $0x0  }
0xc3: {  	p2 =	sne.s32 s31, $0x0;
	[sflag:s8] =	ssyncadd.s32 $0xFFFFC000  }
.Ltmp2:
0xc4: {  	_ =	swait.ge [sflag:s2], $0x4000;
	(pc) =	sbr.rel @p2 .LBB2_4-.Ltmp2, $4  }
0xc5: {  	[sflag:s2] =	ssyncset.done $0x0  }
0xc6: {  	[sflag:s2] =	ssyncadd.s32 $0xFFFFC000  }
0xc7: {  	_ =	swait.ge [sflag:s2], $0x4000  }
0xc8: {  	s0 =	rddreg [dreg:$0x7];
	[sflag:s2] =	ssyncset.done $0x0  }
0xc9: {  	s28 =	simm.s32 $0x280;
	s23 =	simm.s32 $0x300;
	s21 =	simm.s32 $0x100  }
0xca: {  	s20 =	simm.s32 $0x380;
	s19 =	simm.s32 $0x180;
	s26 =	rddreg [dreg:$0x6]  }
.LBB2_6:
0xcb: {  	[sflag:s2] =	ssyncadd.s32 @p1 $0xFFFFC000;
	s18 =	simm.s32 @!p0 $0x1C04  }
0xcc: {  	[spmem:s25], [sflag:s18] =	dma.local @!p0 [hbm:s0], $0x3A0  }
0xcd: {  	s18 =	simm.s32 @!p0 $0x1C05;
	s0 =	rddreg [dreg:$0x8]  }
0xce: {  	[spmem:s24], [sflag:s18] =	dma.local @!p0 [hbm:s0], $0x20  }
0xcf: {  	s0 =	simm.s32 @!p0 $0x4  }
0xd0: {  	_ =	swait.ge @!p0 [sflag:s0], $0x3A0  }
0xd1: {  	[sflag:s0] =	ssyncset.done @!p0 $0x0  }
0xd2: {  	[sflag:s0] =	ssyncadd.s32 @!p0 $0xFFFFFC60;
	s0 =	simm.s32 @!p0 $0x5  }
0xd3: {  	_ =	swait.ge @!p0 [sflag:s0], $0x20  }
0xd4: {  	[sflag:s0] =	ssyncset.done @!p0 $0x0  }
0xd5: {  	s30 =	rddreg [dreg:$0x9];
	[sflag:s0] =	ssyncadd.s32 @!p0 $0xFFFFFFE0  }
0xd6: {  	[tilespmem:s10], [sflag:$0x1] =	stream.linear.gather [hbm4b:s30+s10], $0x200, $0x38;
	[tilespmem:$0x185E0] =	vst v63  }
0xd7: {  	s31 =	rddreg [dreg:$0xa]  }
0xd8: {  	[tilespmem:s22], [sflag:$0x2] =	stream.linear.gather [hbm4b:s31+s10], $0x200, $0x38;
	[tilespmem:$0x185E0] =	vst v63  }
0xd9: {  	_ =	swait.ge [sflag:s3], $0x200  }
0xda: {  	[sflag:s3] =	ssyncset.done $0x0  }
0xdb: {  	[sflag:s3] =	ssyncadd.s32 $0xFFFFFE00  }
0xdc: {  	_ =	swait.ge [sflag:s15], $0x200  }
0xdd: {  	[sflag:s15] =	ssyncset.done $0x0  }
0xde: {  	[sflag:s15] =	ssyncadd.s32 $0xFFFFFE00  }
0xdf: {  	[bflag:$0x0] =	sbarrier.arrive $0xFFFF  }
0xe0: {  	[tilespmem:s4], [sflag:$0x1] =	stream.indirect.gather [spmem:s1], $0x80, s10, s12, $0xb8;
	[tilespmem:$0x185E0] =	vst v63  }
0xe1: {  	_ = 	snop  }
0xe2: {  	[tilespmem:s5], [sflag:$0x1] =	stream.indirect.gather [spmem:s7], $0x80, s22, s12, $0xb8;
	[tilespmem:$0x185E0] =	vst v63  }
0xe3: {  	_ = 	snop  }
0xe4: {  	[tilespmem:s16], [sflag:$0x2] =	stream.indirect.gather [spmem:s1], $0x80, s12, s12, $0xb8;
	[tilespmem:$0x185E0] =	vst v63  }
0xe5: {  	_ = 	snop  }
0xe6: {  	[tilespmem:s17], [sflag:$0x2] =	stream.indirect.gather [spmem:s7], $0x80, s28, s12, $0xb8;
	[tilespmem:$0x185E0] =	vst v63  }
0xe7: {  	_ =	swait.ge [sflag:s3], $0x4000  }
0xe8: {  	[sflag:s3] =	ssyncset.done $0x0  }
0xe9: {  	[sflag:s3] =	ssyncadd.s32 $0xFFFFC000  }
0xea: {  	_ =	swait.ge [sflag:s3], $0x4000  }
0xeb: {  	[sflag:s3] =	ssyncset.done $0x0  }
0xec: {  	[sflag:s3] =	ssyncadd.s32 $0xFFFFC000  }
0xed: {  	[hbm4b:s9+s4] =	stream.strided.scatter [tilespmem:s4], [sflag:$0x4], $0x4000, s6, s4, $0x38;
	[tilespmem:$0x185E0] =	vst v63  }
0xee: {  	s22 =	rddreg [dreg:$0xb]  }
0xef: {  	[hbm4b:s22+s4] =	stream.strided.scatter [tilespmem:s5], [sflag:$0x4], $0x4000, s6, s4, $0x38;
	[tilespmem:$0x185E0] =	vst v63  }
0xf0: {  	_ = 	snop  }
0xf1: {  	[tilespmem:s11], [sflag:$0x3] =	stream.indirect.gather [spmem:s1], $0x80, s21, s12, $0xb8;
	[tilespmem:$0x185E0] =	vst v63  }
0xf2: {  	_ = 	snop  }
0xf3: {  	[tilespmem:s13], [sflag:$0x3] =	stream.indirect.gather [spmem:s7], $0x80, s23, s12, $0xb8;
	[tilespmem:$0x185E0] =	vst v63  }
0xf4: {  	_ =	swait.ge [sflag:s15], $0x4000  }
0xf5: {  	[sflag:s15] =	ssyncset.done $0x0  }
0xf6: {  	[sflag:s15] =	ssyncadd.s32 $0xFFFFC000  }
0xf7: {  	_ =	swait.ge [sflag:s15], $0x4000  }
0xf8: {  	[sflag:s15] =	ssyncset.done $0x0  }
0xf9: {  	s24 =	rddreg [dreg:$0xc];
	[sflag:s15] =	ssyncadd.s32 $0xFFFFC000  }
0xfa: {  	[hbm4b:s24+s4] =	stream.strided.scatter [tilespmem:s16], [sflag:$0x5], $0x4000, s6, s4, $0x38;
	[tilespmem:$0x185E0] =	vst v63  }
0xfb: {  	s25 =	rddreg [dreg:$0xd]  }
0xfc: {  	[hbm4b:s25+s4] =	stream.strided.scatter [tilespmem:s17], [sflag:$0x5], $0x4000, s6, s4, $0x38;
	[tilespmem:$0x185E0] =	vst v63  }
0xfd: {  	_ =	swait.ge [sflag:s2], $0x4000  }
0xfe: {  	[sflag:s2] =	ssyncset.done $0x0  }
0xff: {  	[sflag:s2] =	ssyncadd.s32 $0xFFFFC000  }
0x100: {  	_ =	swait.ge [sflag:s2], $0x4000  }
0x101: {  	[sflag:s2] =	ssyncset.done $0x0  }
0x102: {  	[sflag:s2] =	ssyncadd.s32 $0xFFFFC000  }
0x103: {  	[tilespmem:s4], [sflag:$0x1] =	stream.indirect.gather [spmem:s1], $0x80, s19, s12, $0xb8;
	[tilespmem:$0x185E0] =	vst v63  }
0x104: {  	_ = 	snop  }
0x105: {  	[tilespmem:s5], [sflag:$0x1] =	stream.indirect.gather [spmem:s7], $0x80, s20, s12, $0xb8;
	[tilespmem:$0x185E0] =	vst v63  }
0x106: {  	_ =	swait.ge [sflag:s14], $0x4000  }
0x107: {  	[sflag:s14] =	ssyncset.done $0x0  }
0x108: {  	[sflag:s14] =	ssyncadd.s32 $0xFFFFC000  }
0x109: {  	_ =	swait.ge [sflag:s14], $0x4000  }
0x10a: {  	[sflag:s14] =	ssyncset.done $0x0  }
0x10b: {  	s28 =	rddreg [dreg:$0xe];
	[sflag:s14] =	ssyncadd.s32 $0xFFFFC000  }
0x10c: {  	[hbm4b:s28+s4] =	stream.strided.scatter [tilespmem:s11], [sflag:$0x6], $0x4000, s6, s4, $0x38;
	[tilespmem:$0x185E0] =	vst v63  }
0x10d: {  	s29 =	rddreg [dreg:$0xf]  }
0x10e: {  	[hbm4b:s29+s4] =	stream.strided.scatter [tilespmem:s13], [sflag:$0x6], $0x4000, s6, s4, $0x38;
	[tilespmem:$0x185E0] =	vst v63  }
0x10f: {  	_ =	swait.ge [sflag:s3], $0x4000  }
0x110: {  	[sflag:s3] =	ssyncset.done $0x0  }
0x111: {  	[sflag:s3] =	ssyncadd.s32 $0xFFFFC000  }
0x112: {  	_ =	swait.ge [sflag:s3], $0x4000  }
0x113: {  	[sflag:s3] =	ssyncset.done $0x0  }
0x114: {  	s30 =	rddreg [dreg:$0x10];
	[sflag:s3] =	ssyncadd.s32 $0xFFFFC000  }
0x115: {  	[hbm4b:s30+s4] =	stream.strided.scatter [tilespmem:s4], [sflag:$0x4], $0x4000, s6, s4, $0x38;
	[tilespmem:$0x185E0] =	vst v63  }
0x116: {  	s31 =	rddreg [dreg:$0x11]  }
0x117: {  	[hbm4b:s31+s4] =	stream.strided.scatter [tilespmem:s5], [sflag:$0x4], $0x4000, s6, s4, $0x38;
	[tilespmem:$0x185E0] =	vst v63  }
0x118: {  	_ =	swait.ge [sflag:s8], $0x4000  }
0x119: {  	[sflag:s8] =	ssyncset.done $0x0  }
0x11a: {  	[sflag:s8] =	ssyncadd.s32 $0xFFFFC000  }
0x11b: {  	_ =	swait.ge [sflag:s8], $0x4000  }
0x11c: {  	[sflag:s8] =	ssyncset.done $0x0  }
0x11d: {  	[sflag:s8] =	ssyncadd.s32 $0xFFFFC000  }
0x11e: {  	_ =	swait.ge [sflag:s2], $0x4000  }
0x11f: {  	[sflag:s2] =	ssyncset.done $0x0  }
0x120: {  	[sflag:s2] =	ssyncadd.s32 $0xFFFFC000  }
0x121: {  	_ =	swait.ge [sflag:s2], $0x4000  }
0x122: {  	[sflag:s2] =	ssyncset.done $0x0  }
0x123: {  	[sflag:s2] =	ssyncadd.s32 $0xFFFFC000  }
0x124: {  	_ =	sfence.sel $0x180000  }
0x125: {  	[bflag:$0x0] =	sbarrier.arrive $0xFFFF  }
0x126: {  	_ =	strace $0x90000047  }
0x127: {  	s0 =	sadd.s32 @!p0 $0x100000, s26;
	[bflag:$0x2] =	sbarrier.arrive $0xFFFF  }
0x128: {  	[sflag:s0] =	ssyncadd.tile.s32 @!p0 $0x1;
	_ =	shalt  }
.LBB2_1:
.Ltmp3:
0x129: {  	(pc) =	sbr.rel .LBB2_6-.Ltmp3, $3  }
0x12a: {  	_ =	sdelay $0x1  }
0x12b: {  	s28 =	simm.s32 $0x280;
	s23 =	simm.s32 $0x300  }
0x12c: {  	s21 =	simm.s32 $0x100;
	s20 =	simm.s32 $0x380;
	s19 =	simm.s32 $0x180  }
.LBB2_3:
.Ltmp4:
0x12d: {  	(pc) =	sbr.rel .LBB2_6-.Ltmp4, $3  }
0x12e: {  	_ =	sdelay $0x1  }
0x12f: {  	s28 =	simm.s32 $0x280;
	s23 =	simm.s32 $0x300;
	s21 =	simm.s32 $0x100  }
0x130: {  	s20 =	simm.s32 $0x380;
	s19 =	simm.s32 $0x180;
	s26 =	rddreg [dreg:$0x6]  }
.Lfunc_end2:
_tile_overlayer_lowered:
.L_overlay_start_2:
0x131: {  	(tag) =	ssettag $0x2  }
0x132: {  	s0 =	rddreg [dreg:$0x0];
	s2 =	stileid.u32  }
0x133: {  	s1 =	rddreg [dreg:$0x1];
	p0 =	sne.s32 s2, $0x0  }
0x134: {  	s3 =	rddreg [dreg:$0x2];
	[bflag:$0x3] =	sbarrier.arrive $0xFFFF;
	s2 =	simm.s32 @!p0 $0x1C07  }
0x135: {  	[timem:s3], [sflag:s2] =	dma.local @!p0 [hbm:s0], s1  }
0x136: {  	s0 =	simm.s32 @!p0 $0x7  }
0x137: {  	_ =	swait.ge @!p0 [sflag:s0], s1  }
0x138: {  	s1 =	ssub.s32 @!p0 $0x0, s1;
	[sflag:s0] =	ssyncset.done @!p0 $0x0  }
0x139: {  	[sflag:s0] =	ssyncadd.s32 @!p0 s1  }
0x13a: {  	[bflag:$0x3] =	sbarrier.arrive $0xFFFF  }
0x13b: {  	_ =	shalt  }

</sc_bundles>
